<compile_context>
chip_gen: v7x
topology: tpu7x:2x2x1
jax: 0.10.2.dev20260603
libtpu: 0.0.44.dev20260713+nightly
codegen_flags: <defaults>
</compile_context>

<pallas_src>
import dataclasses
import functools

import jax
import jax.numpy as jnp
from jax import lax
from jax.experimental import pallas as pl
from jax.experimental.pallas import tpu as pltpu
from jax.experimental.pallas import tpu_sc as plsc

N = 10000
NPAD = 10240
E = 320000
D = 128
CHUNK = 128
NCORE = 2
NSUB = 16
NW = NCORE * NSUB
CH_W = 80
NCHP = NW * CH_W
EPAD = NCHP * CHUNK
ROWS_PER_SUB = NPAD // NSUB
ROWBLK = 1024


def _sc_mesh():
    return plsc.VectorSubcoreMesh(core_axis_name="c", subcore_axis_name="s")


def _sc_degree(dstC):

    cp = pltpu.CompilerParams()
    if "needs_layout_passes" in pltpu.CompilerParams.__dataclass_fields__:
        cp = dataclasses.replace(cp, needs_layout_passes=False)

    @functools.partial(
        pl.kernel,
        out_type=jax.ShapeDtypeStruct((NW, NPAD), jnp.float32),
        mesh=_sc_mesh(),
        compiler_params=cp,
        scratch_types=[
            pltpu.VMEM((CH_W, 1, CHUNK), jnp.int32),
            pltpu.VMEM((NPAD,), jnp.float32),
        ],
    )
    def k(dst_hbm, out_hbm, dslab, hist):
        cid = lax.axis_index("c")
        sid = lax.axis_index("s")
        gwid = sid * NCORE + cid
        base = gwid * CH_W
        pltpu.sync_copy(dst_hbm.at[pl.ds(base, CH_W)], dslab)

        @pl.loop(0, NPAD, step=16)
        def _(i):
            hist[pl.ds(i, 16)] = jnp.zeros((16,), jnp.float32)

        ones = jnp.full((16,), 1.0, jnp.float32)

        @pl.loop(0, CH_W)
        def _(c):
            for i in range(CHUNK // 16):
                iv = dslab[c, 0, pl.ds(i * 16, 16)]
                plsc.addupdate_scatter(hist, [iv], ones)

        pltpu.sync_copy(hist, out_hbm.at[gwid])

    return k(dstC)


def _sc_spmm(g, src3, dst3, zerosD):

    @functools.partial(
        pl.kernel,
        out_type=jax.ShapeDtypeStruct((NCORE, NPAD, D), jnp.float32),
        mesh=_sc_mesh(),
        scratch_types=[
            pltpu.VMEM((1, CHUNK), jnp.int32),
            pltpu.VMEM((1, CHUNK), jnp.int32),
            pltpu.VMEM((CH_W, 1, CHUNK), jnp.int32),
            pltpu.VMEM((CHUNK, D), jnp.float32),
            pltpu.VMEM((CHUNK, D), jnp.float32),
            pltpu.VMEM_SHARED((NPAD, D), jnp.float32),
            pltpu.SemaphoreType.DMA,
            pltpu.SemaphoreType.DMA,
            pltpu.SemaphoreType.DMA,
            pltpu.SemaphoreType.DMA,
            pltpu.SemaphoreType.DMA,
            pltpu.SemaphoreType.DMA,
        ],
    )
    def k(g_hbm, src_hbm, dst_hbm, z_hbm, out_hbm,
          si0, si1, dslab, r0, r1, acc, sg0, sg1, ss0, ss1, sl0, sl1):
        cid = lax.axis_index("c")
        sid = lax.axis_index("s")
        gwid = sid * NCORE + cid
        base = gwid * CH_W
        pltpu.sync_copy(src_hbm.at[base], si0)
        pltpu.sync_copy(src_hbm.at[base + 1], si1)
        pltpu.async_copy(g_hbm.at[si0.at[0]], r0, sg0)
        pltpu.async_copy(g_hbm.at[si1.at[0]], r1, sg1)
        pltpu.sync_copy(dst_hbm.at[pl.ds(base, CH_W)], dslab)
        pltpu.sync_copy(z_hbm, acc.at[pl.ds(sid * ROWS_PER_SUB, ROWS_PER_SUB)])
        plsc.subcore_barrier()

        @pl.loop(0, CH_W - 2, step=2)
        def _(c):
            pltpu.make_async_copy(g_hbm.at[si0.at[0]], r0, sg0).wait()
            pltpu.async_copy(r0, acc.at[dslab.at[c, 0]], ss0, add=True)
            pltpu.async_copy(src_hbm.at[base + c + 2], si0, sl0)
            pltpu.make_async_copy(g_hbm.at[si1.at[0]], r1, sg1).wait()
            pltpu.async_copy(r1, acc.at[dslab.at[c + 1, 0]], ss1, add=True)
            pltpu.async_copy(src_hbm.at[base + c + 3], si1, sl1)
            pltpu.make_async_copy(r0, acc.at[dslab.at[c, 0]], ss0).wait()
            pltpu.make_async_copy(src_hbm.at[base], si0, sl0).wait()
            pltpu.async_copy(g_hbm.at[si0.at[0]], r0, sg0)
            pltpu.make_async_copy(r1, acc.at[dslab.at[c + 1, 0]], ss1).wait()
            pltpu.make_async_copy(src_hbm.at[base], si1, sl1).wait()
            pltpu.async_copy(g_hbm.at[si1.at[0]], r1, sg1)

        pltpu.make_async_copy(g_hbm.at[si0.at[0]], r0, sg0).wait()
        pltpu.async_copy(r0, acc.at[dslab.at[CH_W - 2, 0]], ss0, add=True)
        pltpu.make_async_copy(g_hbm.at[si1.at[0]], r1, sg1).wait()
        pltpu.async_copy(r1, acc.at[dslab.at[CH_W - 1, 0]], ss1, add=True)
        pltpu.make_async_copy(r0, acc.at[dslab.at[CH_W - 2, 0]], ss0).wait()
        pltpu.make_async_copy(r1, acc.at[dslab.at[CH_W - 1, 0]], ss1).wait()
        plsc.subcore_barrier()
        pltpu.sync_copy(
            acc.at[pl.ds(sid * ROWS_PER_SUB, ROWS_PER_SUB)],
            out_hbm.at[cid, pl.ds(sid * ROWS_PER_SUB, ROWS_PER_SUB)],
        )

    return k(g, src3, dst3, zerosD)


def _tc_norm_scale(degp, xpad):

    def body(dp_ref, x_ref, g0_ref, n_ref):
        deg = jnp.sum(dp_ref[...], axis=0)[:, None]
        nrm = lax.rsqrt(jnp.maximum(deg, 1.0))
        n_ref[...] = jnp.broadcast_to(nrm, n_ref.shape)
        g0_ref[...] = x_ref[...] * nrm

    return pl.pallas_call(
        body,
        grid=(NPAD // ROWBLK,),
        in_specs=[
            pl.BlockSpec((NW, ROWBLK), lambda i: (0, i)),
            pl.BlockSpec((ROWBLK, D), lambda i: (i, 0)),
        ],
        out_specs=[
            pl.BlockSpec((ROWBLK, D), lambda i: (i, 0)),
            pl.BlockSpec((ROWBLK, 16), lambda i: (i, 0)),
        ],
        out_shape=[
            jax.ShapeDtypeStruct((NPAD, D), jnp.float32),
            jax.ShapeDtypeStruct((NPAD, 16), jnp.float32),
        ],
    )(degp, xpad)


def _tc_combine(parts, norm16):

    def body(p_ref, n_ref, o_ref):
        nr = n_ref[:, 0:1]
        o_ref[...] = (p_ref[0] + p_ref[1]) * (nr * nr)

    return pl.pallas_call(
        body,
        grid=(NPAD // ROWBLK,),
        in_specs=[
            pl.BlockSpec((NCORE, ROWBLK, D), lambda i: (0, i, 0)),
            pl.BlockSpec((ROWBLK, 16), lambda i: (i, 0)),
        ],
        out_specs=pl.BlockSpec((ROWBLK, D), lambda i: (i, 0)),
        out_shape=jax.ShapeDtypeStruct((NPAD, D), jnp.float32),
    )(parts, norm16)


def _tc_final(parts, norm16, W, b2):
    blk = 1000

    def body(p_ref, n_ref, w_ref, b_ref, o_ref):
        h = (p_ref[0] + p_ref[1]) * n_ref[:, 0:1]
        o_ref[...] = (
            jnp.dot(h, w_ref[...], preferred_element_type=jnp.float32)
            + b_ref[...]
        )

    return pl.pallas_call(
        body,
        grid=(N // blk,),
        in_specs=[
            pl.BlockSpec((NCORE, blk, D), lambda i: (0, i, 0)),
            pl.BlockSpec((blk, 16), lambda i: (i, 0)),
            pl.BlockSpec((D, D), lambda i: (0, 0)),
            pl.BlockSpec((1, D), lambda i: (0, 0)),
        ],
        out_specs=pl.BlockSpec((blk, D), lambda i: (i, 0)),
        out_shape=jax.ShapeDtypeStruct((N, D), jnp.float32),
    )(parts, norm16, W, b2)


@jax.jit
def kernel(features, edge_index, W, b):
    padv = N + jnp.arange(EPAD - E, dtype=jnp.int32) % (NPAD - N)
    srcC = jnp.concatenate([edge_index[0], padv]).reshape(NCHP, 1, CHUNK)
    dstC = jnp.concatenate([edge_index[1], padv]).reshape(NCHP, 1, CHUNK)
    xpad = jnp.concatenate(
        [features, jnp.zeros((NPAD - N, D), jnp.float32)], axis=0)
    zerosD = jnp.zeros((ROWS_PER_SUB, D), jnp.float32)
    b2 = b.reshape(1, D)

    degp = _sc_degree(dstC)
    g, norm16 = _tc_norm_scale(degp, xpad)
    for hop in range(3):
        parts = _sc_spmm(g, srcC, dstC, zerosD)
        if hop < 2:
            g = _tc_combine(parts, norm16)
    return _tc_final(parts, norm16, W, b2)

# --- scband reference (transcript-rebuilt; emitter-appended) ---
"""Pipeline reference for scband-sgc-66709432041921 (READ-ONLY COPY).

The authoritative reference and input builder live on the scoring server;
editing this copy changes nothing except your own understanding.
"""

import jax, jax.numpy as jnp
import numpy as np

N_NODES = 10000
N_EDGES = 320000
D_IN = 128
D_OUT = 128
K_HOPS = 3  # len([in_feats] + hidden_lst) with hidden_lst=[128,128]


def setup_inputs(seed: int = 0) -> dict:
    key = jax.random.key(seed)
    k1, k2, k3 = jax.random.split(key, 3)
    features = jax.random.normal(k1, (N_NODES, D_IN), dtype=jnp.float32)
    edge_index = jax.random.randint(k2, (2, N_EDGES), 0, N_NODES, dtype=jnp.int32)
    # Learned params of the SGConv fc layer (in_feats -> hidden_lst[-1])
    W = jax.random.normal(k3, (D_IN, D_OUT), dtype=jnp.float32) * (1.0 / np.sqrt(D_IN))
    b = jnp.zeros((D_OUT,), dtype=jnp.float32)
    return {"features": features, "edge_index": edge_index, "W": W, "b": b}


def reference(features, edge_index, W, b):
    # DGL SGConv with k=K_HOPS, symmetric ('both') normalization:
    # h = (D^-1/2 A D^-1/2)^k X, then linear fc.
    src = edge_index[0]
    dst = edge_index[1]
    deg = jnp.zeros((N_NODES,), dtype=jnp.float32).at[dst].add(1.0)
    norm = jnp.power(jnp.clip(deg, 1.0, None), -0.5)
    h = features
    for _ in range(K_HOPS):
        h = h * norm[:, None]
        h = jax.ops.segment_sum(h[src], dst, num_segments=N_NODES)
        h = h * norm[:, None]
    return h @ W + b

if __name__ == "__main__":
    import jax
    _d = setup_inputs()
    print(jax.jit(kernel)(*tuple(_d.values())))

</pallas_src>

<mosaic_0001>
#map = affine_map<(d0, d1) -> (0, 0)>
#map1 = affine_map<(d0, d1) -> (0, 0, 0)>
module attributes {stable_mosaic.version = 14 : i64} {
  func.func @k(%arg0: i32, %arg1: i32, %arg2: memref<10240x128xf32, #tpu.memory_space<hbm>>, %arg3: memref<2560x1x128xi32, #tpu.memory_space<hbm>>, %arg4: memref<2560x1x128xi32, #tpu.memory_space<hbm>>, %arg5: memref<640x128xf32, #tpu.memory_space<hbm>>, %arg6: memref<2x10240x128xf32, #tpu.memory_space<hbm>>, %arg7: memref<1x128xi32, #tpu.memory_space<vmem>>, %arg8: memref<1x128xi32, #tpu.memory_space<vmem>>, %arg9: memref<80x1x128xi32, #tpu.memory_space<vmem>>, %arg10: memref<128x128xf32, #tpu.memory_space<vmem>>, %arg11: memref<128x128xf32, #tpu.memory_space<vmem>>, %arg12: memref<10240x128xf32, #tpu.memory_space<vmem_shared>>, %arg13: memref<!tpu.dma_semaphore, #tpu.memory_space<semaphore_mem>>, %arg14: memref<!tpu.dma_semaphore, #tpu.memory_space<semaphore_mem>>, %arg15: memref<!tpu.dma_semaphore, #tpu.memory_space<semaphore_mem>>, %arg16: memref<!tpu.dma_semaphore, #tpu.memory_space<semaphore_mem>>, %arg17: memref<!tpu.dma_semaphore, #tpu.memory_space<semaphore_mem>>, %arg18: memref<!tpu.dma_semaphore, #tpu.memory_space<semaphore_mem>>) attributes {dimension_semantics = [#tpu.dimension_semantics<core_parallel>, #tpu.dimension_semantics<subcore_parallel>], iteration_bounds = array<i64: 2, 16>, scalar_prefetch = 0 : i64, scratch_operands = 12 : i64, tpu.core_type = #tpu.core_type<sc_vector_subcore>, window_params = [{transform_indices = #map}, {transform_indices = #map1}, {transform_indices = #map1}, {transform_indices = #map}, {transform_indices = #map1}]} {
    %mul3A = arith.constant 2 : i32
    %mul3A_0 = arith.muli %arg1, %mul3A : i32
    %add3A = arith.addi %mul3A_0, %arg0 : i32
    %mul3A_1 = arith.constant 80 : i32
    %mul3A_2 = arith.muli %add3A, %mul3A_1 : i32
    "tpu.region"() ({
      %run_scoped3A = tpu.sem_alloc : memref<!tpu.dma_semaphore, #tpu.memory_space<semaphore_mem>>
      %dma_start3A_74 = arith.constant 0 : i32
      %dma_start3A_75 = arith.constant 0 : i32
      %dma_start3A_76 = tpu.memref_slice %arg3[%mul3A_2, %dma_start3A_74, %dma_start3A_75] : memref<2560x1x128xi32, #tpu.memory_space<hbm>> -> memref<1x1x128xi32, #tpu.memory_space<hbm>>
      %dma_start3A_77 = tpu.memref_squeeze %dma_start3A_76 : memref<1x1x128xi32, #tpu.memory_space<hbm>> -> memref<1x128xi32, #tpu.memory_space<hbm>>
      %dma_start3A_78 = arith.constant 0 : i32
      %dma_start3A_79 = arith.constant 0 : i32
      %dma_start3A_80 = tpu.memref_slice %arg3[%mul3A_2, %dma_start3A_78, %dma_start3A_79] : memref<2560x1x128xi32, #tpu.memory_space<hbm>> -> memref<1x1x128xi32, #tpu.memory_space<hbm>>
      %dma_start3A_81 = tpu.memref_squeeze %dma_start3A_80 : memref<1x1x128xi32, #tpu.memory_space<hbm>> -> memref<1x128xi32, #tpu.memory_space<hbm>>
      tpu.enqueue_dma source(%dma_start3A_81 : memref<1x128xi32, #tpu.memory_space<hbm>>) target(%arg7 : memref<1x128xi32, #tpu.memory_space<vmem>>) target_semaphore(%run_scoped3A : memref<!tpu.dma_semaphore, #tpu.memory_space<semaphore_mem>>)
      %dma_wait3A_82 = arith.constant 0 : i32
      %dma_wait3A_83 = arith.constant 0 : i32
      %dma_wait3A_84 = tpu.memref_slice %arg3[%mul3A_2, %dma_wait3A_82, %dma_wait3A_83] : memref<2560x1x128xi32, #tpu.memory_space<hbm>> -> memref<1x1x128xi32, #tpu.memory_space<hbm>>
      %dma_wait3A_85 = tpu.memref_squeeze %dma_wait3A_84 : memref<1x1x128xi32, #tpu.memory_space<hbm>> -> memref<1x128xi32, #tpu.memory_space<hbm>>
      %dma_wait3A_86 = arith.constant 0 : i32
      %dma_wait3A_87 = arith.constant 0 : i32
      %dma_wait3A_88 = tpu.memref_slice %arg3[%mul3A_2, %dma_wait3A_86, %dma_wait3A_87] : memref<2560x1x128xi32, #tpu.memory_space<hbm>> -> memref<1x1x128xi32, #tpu.memory_space<hbm>>
      %dma_wait3A_89 = tpu.memref_squeeze %dma_wait3A_88 : memref<1x1x128xi32, #tpu.memory_space<hbm>> -> memref<1x128xi32, #tpu.memory_space<hbm>>
      tpu.wait_dma2 semaphore(%run_scoped3A : memref<!tpu.dma_semaphore, #tpu.memory_space<semaphore_mem>>) src(%dma_wait3A_89 : memref<1x128xi32, #tpu.memory_space<hbm>>) dst(%arg7 : memref<1x128xi32, #tpu.memory_space<vmem>>)
      tpu.yield
    }) : () -> ()
    %add3A_3 = arith.constant 1 : i32
    %add3A_4 = arith.addi %mul3A_2, %add3A_3 : i32
    "tpu.region"() ({
      %run_scoped3A = tpu.sem_alloc : memref<!tpu.dma_semaphore, #tpu.memory_space<semaphore_mem>>
      %dma_start3A_74 = arith.constant 0 : i32
      %dma_start3A_75 = arith.constant 0 : i32
      %dma_start3A_76 = tpu.memref_slice %arg3[%add3A_4, %dma_start3A_74, %dma_start3A_75] : memref<2560x1x128xi32, #tpu.memory_space<hbm>> -> memref<1x1x128xi32, #tpu.memory_space<hbm>>
      %dma_start3A_77 = tpu.memref_squeeze %dma_start3A_76 : memref<1x1x128xi32, #tpu.memory_space<hbm>> -> memref<1x128xi32, #tpu.memory_space<hbm>>
      %dma_start3A_78 = arith.constant 0 : i32
      %dma_start3A_79 = arith.constant 0 : i32
      %dma_start3A_80 = tpu.memref_slice %arg3[%add3A_4, %dma_start3A_78, %dma_start3A_79] : memref<2560x1x128xi32, #tpu.memory_space<hbm>> -> memref<1x1x128xi32, #tpu.memory_space<hbm>>
      %dma_start3A_81 = tpu.memref_squeeze %dma_start3A_80 : memref<1x1x128xi32, #tpu.memory_space<hbm>> -> memref<1x128xi32, #tpu.memory_space<hbm>>
      tpu.enqueue_dma source(%dma_start3A_81 : memref<1x128xi32, #tpu.memory_space<hbm>>) target(%arg8 : memref<1x128xi32, #tpu.memory_space<vmem>>) target_semaphore(%run_scoped3A : memref<!tpu.dma_semaphore, #tpu.memory_space<semaphore_mem>>)
      %dma_wait3A_82 = arith.constant 0 : i32
      %dma_wait3A_83 = arith.constant 0 : i32
      %dma_wait3A_84 = tpu.memref_slice %arg3[%add3A_4, %dma_wait3A_82, %dma_wait3A_83] : memref<2560x1x128xi32, #tpu.memory_space<hbm>> -> memref<1x1x128xi32, #tpu.memory_space<hbm>>
      %dma_wait3A_85 = tpu.memref_squeeze %dma_wait3A_84 : memref<1x1x128xi32, #tpu.memory_space<hbm>> -> memref<1x128xi32, #tpu.memory_space<hbm>>
      %dma_wait3A_86 = arith.constant 0 : i32
      %dma_wait3A_87 = arith.constant 0 : i32
      %dma_wait3A_88 = tpu.memref_slice %arg3[%add3A_4, %dma_wait3A_86, %dma_wait3A_87] : memref<2560x1x128xi32, #tpu.memory_space<hbm>> -> memref<1x1x128xi32, #tpu.memory_space<hbm>>
      %dma_wait3A_89 = tpu.memref_squeeze %dma_wait3A_88 : memref<1x1x128xi32, #tpu.memory_space<hbm>> -> memref<1x128xi32, #tpu.memory_space<hbm>>
      tpu.wait_dma2 semaphore(%run_scoped3A : memref<!tpu.dma_semaphore, #tpu.memory_space<semaphore_mem>>) src(%dma_wait3A_89 : memref<1x128xi32, #tpu.memory_space<hbm>>) dst(%arg8 : memref<1x128xi32, #tpu.memory_space<vmem>>)
      tpu.yield
    }) : () -> ()
    %dma_start3A = arith.constant 0 : i32
    %dma_start3A_5 = arith.constant 0 : i32
    %dma_start3A_6 = tpu.memref_slice %arg7[%dma_start3A, %dma_start3A_5] : memref<1x128xi32, #tpu.memory_space<vmem>> -> memref<1x128xi32, #tpu.memory_space<vmem>>
    %dma_start3A_7 = tpu.memref_squeeze %dma_start3A_6 : memref<1x128xi32, #tpu.memory_space<vmem>> -> memref<128xi32, #tpu.memory_space<vmem>>
    %dma_start3A_8 = arith.constant 0 : i32
    %dma_start3A_9 = arith.constant 0 : i32
    %dma_start3A_10 = tpu.memref_slice %arg2[%dma_start3A_8, %dma_start3A_9] : memref<10240x128xf32, #tpu.memory_space<hbm>> -> memref<10240x128xf32, #tpu.memory_space<hbm>>
    tpu.enqueue_indirect_dma source(%dma_start3A_10 : memref<10240x128xf32, #tpu.memory_space<hbm>>) target(%arg10 : memref<128x128xf32, #tpu.memory_space<vmem>>) offsets(%dma_start3A_7 : memref<128xi32, #tpu.memory_space<vmem>>) semaphore(%arg13 : memref<!tpu.dma_semaphore, #tpu.memory_space<semaphore_mem>>)
    %dma_start3A_11 = arith.constant 0 : i32
    %dma_start3A_12 = arith.constant 0 : i32
    %dma_start3A_13 = tpu.memref_slice %arg8[%dma_start3A_11, %dma_start3A_12] : memref<1x128xi32, #tpu.memory_space<vmem>> -> memref<1x128xi32, #tpu.memory_space<vmem>>
    %dma_start3A_14 = tpu.memref_squeeze %dma_start3A_13 : memref<1x128xi32, #tpu.memory_space<vmem>> -> memref<128xi32, #tpu.memory_space<vmem>>
    %dma_start3A_15 = arith.constant 0 : i32
    %dma_start3A_16 = arith.constant 0 : i32
    %dma_start3A_17 = tpu.memref_slice %arg2[%dma_start3A_15, %dma_start3A_16] : memref<10240x128xf32, #tpu.memory_space<hbm>> -> memref<10240x128xf32, #tpu.memory_space<hbm>>
    tpu.enqueue_indirect_dma source(%dma_start3A_17 : memref<10240x128xf32, #tpu.memory_space<hbm>>) target(%arg11 : memref<128x128xf32, #tpu.memory_space<vmem>>) offsets(%dma_start3A_14 : memref<128xi32, #tpu.memory_space<vmem>>) semaphore(%arg14 : memref<!tpu.dma_semaphore, #tpu.memory_space<semaphore_mem>>)
    "tpu.region"() ({
      %run_scoped3A = tpu.sem_alloc : memref<!tpu.dma_semaphore, #tpu.memory_space<semaphore_mem>>
      %dma_start3A_74 = arith.constant 0 : i32
      %dma_start3A_75 = arith.constant 0 : i32
      %dma_start3A_76 = tpu.memref_slice %arg4[%mul3A_2, %dma_start3A_74, %dma_start3A_75] : memref<2560x1x128xi32, #tpu.memory_space<hbm>> -> memref<80x1x128xi32, #tpu.memory_space<hbm>>
      %dma_start3A_77 = arith.constant 0 : i32
      %dma_start3A_78 = arith.constant 0 : i32
      %dma_start3A_79 = tpu.memref_slice %arg4[%mul3A_2, %dma_start3A_77, %dma_start3A_78] : memref<2560x1x128xi32, #tpu.memory_space<hbm>> -> memref<80x1x128xi32, #tpu.memory_space<hbm>>
      tpu.enqueue_dma source(%dma_start3A_79 : memref<80x1x128xi32, #tpu.memory_space<hbm>>) target(%arg9 : memref<80x1x128xi32, #tpu.memory_space<vmem>>) target_semaphore(%run_scoped3A : memref<!tpu.dma_semaphore, #tpu.memory_space<semaphore_mem>>)
      %dma_wait3A_80 = arith.constant 0 : i32
      %dma_wait3A_81 = arith.constant 0 : i32
      %dma_wait3A_82 = tpu.memref_slice %arg4[%mul3A_2, %dma_wait3A_80, %dma_wait3A_81] : memref<2560x1x128xi32, #tpu.memory_space<hbm>> -> memref<80x1x128xi32, #tpu.memory_space<hbm>>
      %dma_wait3A_83 = arith.constant 0 : i32
      %dma_wait3A_84 = arith.constant 0 : i32
      %dma_wait3A_85 = tpu.memref_slice %arg4[%mul3A_2, %dma_wait3A_83, %dma_wait3A_84] : memref<2560x1x128xi32, #tpu.memory_space<hbm>> -> memref<80x1x128xi32, #tpu.memory_space<hbm>>
      tpu.wait_dma2 semaphore(%run_scoped3A : memref<!tpu.dma_semaphore, #tpu.memory_space<semaphore_mem>>) src(%dma_wait3A_85 : memref<80x1x128xi32, #tpu.memory_space<hbm>>) dst(%arg9 : memref<80x1x128xi32, #tpu.memory_space<vmem>>)
      tpu.yield
    }) : () -> ()
    %mul3A_18 = arith.constant 640 : i32
    %mul3A_19 = arith.muli %arg1, %mul3A_18 : i32
    "tpu.region"() ({
      %run_scoped3A = tpu.sem_alloc : memref<!tpu.dma_semaphore, #tpu.memory_space<semaphore_mem>>
      %dma_start3A_74 = arith.constant 0 : i32
      %dma_start3A_75 = tpu.memref_slice %arg12[%mul3A_19, %dma_start3A_74] : memref<10240x128xf32, #tpu.memory_space<vmem_shared>> -> memref<640x128xf32, #tpu.memory_space<vmem_shared>>
      tpu.enqueue_dma source(%arg5 : memref<640x128xf32, #tpu.memory_space<hbm>>) target(%dma_start3A_75 : memref<640x128xf32, #tpu.memory_space<vmem_shared>>) target_semaphore(%run_scoped3A : memref<!tpu.dma_semaphore, #tpu.memory_space<semaphore_mem>>)
      %dma_wait3A_76 = arith.constant 0 : i32
      %dma_wait3A_77 = tpu.memref_slice %arg12[%mul3A_19, %dma_wait3A_76] : memref<10240x128xf32, #tpu.memory_space<vmem_shared>> -> memref<640x128xf32, #tpu.memory_space<vmem_shared>>
      tpu.wait_dma2 semaphore(%run_scoped3A : memref<!tpu.dma_semaphore, #tpu.memory_space<semaphore_mem>>) src(%arg5 : memref<640x128xf32, #tpu.memory_space<hbm>>) dst(%dma_wait3A_77 : memref<640x128xf32, #tpu.memory_space<vmem_shared>>)
      tpu.yield
    }) : () -> ()
    %barrier3A = arith.constant 0 : index
    tpu.barrier barrier_id(%barrier3A)
    %scan3A = arith.constant 0 : i32
    %scan3A_20 = arith.constant 39 : i32
    %scan3A_21 = arith.addi %scan3A, %scan3A_20 : i32
    %scan3A_22 = arith.constant 1 : i32
    scf.for %scan3A_74 = %scan3A to %scan3A_21 step %scan3A_22  : i32 {
      %mul3A_75 = arith.constant 2 : i32
      %mul3A_76 = arith.muli %scan3A_74, %mul3A_75 : i32
      %add3A_77 = arith.constant 0 : i32
      %add3A_78 = arith.addi %add3A_77, %mul3A_76 : i32
      %dma_wait3A_79 = arith.constant 0 : i32
      %dma_wait3A_80 = arith.constant 0 : i32
      %dma_wait3A_81 = tpu.memref_slice %arg7[%dma_wait3A_79, %dma_wait3A_80] : memref<1x128xi32, #tpu.memory_space<vmem>> -> memref<1x128xi32, #tpu.memory_space<vmem>>
      %dma_wait3A_82 = tpu.memref_squeeze %dma_wait3A_81 : memref<1x128xi32, #tpu.memory_space<vmem>> -> memref<128xi32, #tpu.memory_space<vmem>>
      %dma_wait3A_83 = arith.constant 0 : i32
      %dma_wait3A_84 = arith.constant 0 : i32
      %dma_wait3A_85 = tpu.memref_slice %arg2[%dma_wait3A_83, %dma_wait3A_84] : memref<10240x128xf32, #tpu.memory_space<hbm>> -> memref<10240x128xf32, #tpu.memory_space<hbm>>
      tpu.wait_indirect_dma semaphore(%arg13 : memref<!tpu.dma_semaphore, #tpu.memory_space<semaphore_mem>>) src(%dma_wait3A_85 : memref<10240x128xf32, #tpu.memory_space<hbm>>) dst(%arg10 : memref<128x128xf32, #tpu.memory_space<vmem>>)
      %dma_start3A_86 = arith.constant 0 : i32
      %dma_start3A_87 = arith.constant 0 : i32
      %dma_start3A_88 = tpu.memref_slice %arg9[%add3A_78, %dma_start3A_86, %dma_start3A_87] : memref<80x1x128xi32, #tpu.memory_space<vmem>> -> memref<1x1x128xi32, #tpu.memory_space<vmem>>
      %dma_start3A_89 = tpu.memref_squeeze %dma_start3A_88 : memref<1x1x128xi32, #tpu.memory_space<vmem>> -> memref<128xi32, #tpu.memory_space<vmem>>
      %dma_start3A_90 = arith.constant 0 : i32
      %dma_start3A_91 = arith.constant 0 : i32
      %dma_start3A_92 = tpu.memref_slice %arg12[%dma_start3A_90, %dma_start3A_91] : memref<10240x128xf32, #tpu.memory_space<vmem_shared>> -> memref<10240x128xf32, #tpu.memory_space<vmem_shared>>
      tpu.enqueue_indirect_dma source(%arg10 : memref<128x128xf32, #tpu.memory_space<vmem>>) target(%dma_start3A_92 : memref<10240x128xf32, #tpu.memory_space<vmem_shared>>) offsets(%dma_start3A_89 : memref<128xi32, #tpu.memory_space<vmem>>) semaphore(%arg15 : memref<!tpu.dma_semaphore, #tpu.memory_space<semaphore_mem>>) {add = true}
      %add3A_93 = arith.addi %mul3A_2, %add3A_78 : i32
      %add3A_94 = arith.constant 2 : i32
      %add3A_95 = arith.addi %add3A_93, %add3A_94 : i32
      %dma_start3A_96 = arith.constant 0 : i32
      %dma_start3A_97 = arith.constant 0 : i32
      %dma_start3A_98 = tpu.memref_slice %arg3[%add3A_95, %dma_start3A_96, %dma_start3A_97] : memref<2560x1x128xi32, #tpu.memory_space<hbm>> -> memref<1x1x128xi32, #tpu.memory_space<hbm>>
      %dma_start3A_99 = tpu.memref_squeeze %dma_start3A_98 : memref<1x1x128xi32, #tpu.memory_space<hbm>> -> memref<1x128xi32, #tpu.memory_space<hbm>>
      %dma_start3A_100 = arith.constant 0 : i32
      %dma_start3A_101 = arith.constant 0 : i32
      %dma_start3A_102 = tpu.memref_slice %arg3[%add3A_95, %dma_start3A_100, %dma_start3A_101] : memref<2560x1x128xi32, #tpu.memory_space<hbm>> -> memref<1x1x128xi32, #tpu.memory_space<hbm>>
      %dma_start3A_103 = tpu.memref_squeeze %dma_start3A_102 : memref<1x1x128xi32, #tpu.memory_space<hbm>> -> memref<1x128xi32, #tpu.memory_space<hbm>>
      tpu.enqueue_dma source(%dma_start3A_103 : memref<1x128xi32, #tpu.memory_space<hbm>>) target(%arg7 : memref<1x128xi32, #tpu.memory_space<vmem>>) target_semaphore(%arg17 : memref<!tpu.dma_semaphore, #tpu.memory_space<semaphore_mem>>)
      %dma_wait3A_104 = arith.constant 0 : i32
      %dma_wait3A_105 = arith.constant 0 : i32
      %dma_wait3A_106 = tpu.memref_slice %arg8[%dma_wait3A_104, %dma_wait3A_105] : memref<1x128xi32, #tpu.memory_space<vmem>> -> memref<1x128xi32, #tpu.memory_space<vmem>>
      %dma_wait3A_107 = tpu.memref_squeeze %dma_wait3A_106 : memref<1x128xi32, #tpu.memory_space<vmem>> -> memref<128xi32, #tpu.memory_space<vmem>>
      %dma_wait3A_108 = arith.constant 0 : i32
      %dma_wait3A_109 = arith.constant 0 : i32
      %dma_wait3A_110 = tpu.memref_slice %arg2[%dma_wait3A_108, %dma_wait3A_109] : memref<10240x128xf32, #tpu.memory_space<hbm>> -> memref<10240x128xf32, #tpu.memory_space<hbm>>
      tpu.wait_indirect_dma semaphore(%arg14 : memref<!tpu.dma_semaphore, #tpu.memory_space<semaphore_mem>>) src(%dma_wait3A_110 : memref<10240x128xf32, #tpu.memory_space<hbm>>) dst(%arg11 : memref<128x128xf32, #tpu.memory_space<vmem>>)
      %add3A_111 = arith.constant 1 : i32
      %add3A_112 = arith.addi %add3A_78, %add3A_111 : i32
      %dma_start3A_113 = arith.constant 0 : i32
      %dma_start3A_114 = arith.constant 0 : i32
      %dma_start3A_115 = tpu.memref_slice %arg9[%add3A_112, %dma_start3A_113, %dma_start3A_114] : memref<80x1x128xi32, #tpu.memory_space<vmem>> -> memref<1x1x128xi32, #tpu.memory_space<vmem>>
      %dma_start3A_116 = tpu.memref_squeeze %dma_start3A_115 : memref<1x1x128xi32, #tpu.memory_space<vmem>> -> memref<128xi32, #tpu.memory_space<vmem>>
      %dma_start3A_117 = arith.constant 0 : i32
      %dma_start3A_118 = arith.constant 0 : i32
      %dma_start3A_119 = tpu.memref_slice %arg12[%dma_start3A_117, %dma_start3A_118] : memref<10240x128xf32, #tpu.memory_space<vmem_shared>> -> memref<10240x128xf32, #tpu.memory_space<vmem_shared>>
      tpu.enqueue_indirect_dma source(%arg11 : memref<128x128xf32, #tpu.memory_space<vmem>>) target(%dma_start3A_119 : memref<10240x128xf32, #tpu.memory_space<vmem_shared>>) offsets(%dma_start3A_116 : memref<128xi32, #tpu.memory_space<vmem>>) semaphore(%arg16 : memref<!tpu.dma_semaphore, #tpu.memory_space<semaphore_mem>>) {add = true}
      %add3A_120 = arith.addi %mul3A_2, %add3A_78 : i32
      %add3A_121 = arith.constant 3 : i32
      %add3A_122 = arith.addi %add3A_120, %add3A_121 : i32
      %dma_start3A_123 = arith.constant 0 : i32
      %dma_start3A_124 = arith.constant 0 : i32
      %dma_start3A_125 = tpu.memref_slice %arg3[%add3A_122, %dma_start3A_123, %dma_start3A_124] : memref<2560x1x128xi32, #tpu.memory_space<hbm>> -> memref<1x1x128xi32, #tpu.memory_space<hbm>>
      %dma_start3A_126 = tpu.memref_squeeze %dma_start3A_125 : memref<1x1x128xi32, #tpu.memory_space<hbm>> -> memref<1x128xi32, #tpu.memory_space<hbm>>
      %dma_start3A_127 = arith.constant 0 : i32
      %dma_start3A_128 = arith.constant 0 : i32
      %dma_start3A_129 = tpu.memref_slice %arg3[%add3A_122, %dma_start3A_127, %dma_start3A_128] : memref<2560x1x128xi32, #tpu.memory_space<hbm>> -> memref<1x1x128xi32, #tpu.memory_space<hbm>>
      %dma_start3A_130 = tpu.memref_squeeze %dma_start3A_129 : memref<1x1x128xi32, #tpu.memory_space<hbm>> -> memref<1x128xi32, #tpu.memory_space<hbm>>
      tpu.enqueue_dma source(%dma_start3A_130 : memref<1x128xi32, #tpu.memory_space<hbm>>) target(%arg8 : memref<1x128xi32, #tpu.memory_space<vmem>>) target_semaphore(%arg18 : memref<!tpu.dma_semaphore, #tpu.memory_space<semaphore_mem>>)
      %dma_wait3A_131 = arith.constant 0 : i32
      %dma_wait3A_132 = arith.constant 0 : i32
      %dma_wait3A_133 = tpu.memref_slice %arg9[%add3A_78, %dma_wait3A_131, %dma_wait3A_132] : memref<80x1x128xi32, #tpu.memory_space<vmem>> -> memref<1x1x128xi32, #tpu.memory_space<vmem>>
      %dma_wait3A_134 = tpu.memref_squeeze %dma_wait3A_133 : memref<1x1x128xi32, #tpu.memory_space<vmem>> -> memref<128xi32, #tpu.memory_space<vmem>>
      %dma_wait3A_135 = arith.constant 0 : i32
      %dma_wait3A_136 = arith.constant 0 : i32
      %dma_wait3A_137 = tpu.memref_slice %arg12[%dma_wait3A_135, %dma_wait3A_136] : memref<10240x128xf32, #tpu.memory_space<vmem_shared>> -> memref<10240x128xf32, #tpu.memory_space<vmem_shared>>
      tpu.wait_indirect_dma semaphore(%arg15 : memref<!tpu.dma_semaphore, #tpu.memory_space<semaphore_mem>>) src(%arg10 : memref<128x128xf32, #tpu.memory_space<vmem>>) dst(%dma_wait3A_137 : memref<10240x128xf32, #tpu.memory_space<vmem_shared>>)
      %dma_wait3A_138 = arith.constant 0 : i32
      %dma_wait3A_139 = arith.constant 0 : i32
      %dma_wait3A_140 = tpu.memref_slice %arg3[%mul3A_2, %dma_wait3A_138, %dma_wait3A_139] : memref<2560x1x128xi32, #tpu.memory_space<hbm>> -> memref<1x1x128xi32, #tpu.memory_space<hbm>>
      %dma_wait3A_141 = tpu.memref_squeeze %dma_wait3A_140 : memref<1x1x128xi32, #tpu.memory_space<hbm>> -> memref<1x128xi32, #tpu.memory_space<hbm>>
      %dma_wait3A_142 = arith.constant 0 : i32
      %dma_wait3A_143 = arith.constant 0 : i32
      %dma_wait3A_144 = tpu.memref_slice %arg3[%mul3A_2, %dma_wait3A_142, %dma_wait3A_143] : memref<2560x1x128xi32, #tpu.memory_space<hbm>> -> memref<1x1x128xi32, #tpu.memory_space<hbm>>
      %dma_wait3A_145 = tpu.memref_squeeze %dma_wait3A_144 : memref<1x1x128xi32, #tpu.memory_space<hbm>> -> memref<1x128xi32, #tpu.memory_space<hbm>>
      tpu.wait_dma2 semaphore(%arg17 : memref<!tpu.dma_semaphore, #tpu.memory_space<semaphore_mem>>) src(%dma_wait3A_145 : memref<1x128xi32, #tpu.memory_space<hbm>>) dst(%arg7 : memref<1x128xi32, #tpu.memory_space<vmem>>)
      %dma_start3A_146 = arith.constant 0 : i32
      %dma_start3A_147 = arith.constant 0 : i32
      %dma_start3A_148 = tpu.memref_slice %arg7[%dma_start3A_146, %dma_start3A_147] : memref<1x128xi32, #tpu.memory_space<vmem>> -> memref<1x128xi32, #tpu.memory_space<vmem>>
      %dma_start3A_149 = tpu.memref_squeeze %dma_start3A_148 : memref<1x128xi32, #tpu.memory_space<vmem>> -> memref<128xi32, #tpu.memory_space<vmem>>
      %dma_start3A_150 = arith.constant 0 : i32
      %dma_start3A_151 = arith.constant 0 : i32
      %dma_start3A_152 = tpu.memref_slice %arg2[%dma_start3A_150, %dma_start3A_151] : memref<10240x128xf32, #tpu.memory_space<hbm>> -> memref<10240x128xf32, #tpu.memory_space<hbm>>
      tpu.enqueue_indirect_dma source(%dma_start3A_152 : memref<10240x128xf32, #tpu.memory_space<hbm>>) target(%arg10 : memref<128x128xf32, #tpu.memory_space<vmem>>) offsets(%dma_start3A_149 : memref<128xi32, #tpu.memory_space<vmem>>) semaphore(%arg13 : memref<!tpu.dma_semaphore, #tpu.memory_space<semaphore_mem>>)
      %add3A_153 = arith.constant 1 : i32
      %add3A_154 = arith.addi %add3A_78, %add3A_153 : i32
      %dma_wait3A_155 = arith.constant 0 : i32
      %dma_wait3A_156 = arith.constant 0 : i32
      %dma_wait3A_157 = tpu.memref_slice %arg9[%add3A_154, %dma_wait3A_155, %dma_wait3A_156] : memref<80x1x128xi32, #tpu.memory_space<vmem>> -> memref<1x1x128xi32, #tpu.memory_space<vmem>>
      %dma_wait3A_158 = tpu.memref_squeeze %dma_wait3A_157 : memref<1x1x128xi32, #tpu.memory_space<vmem>> -> memref<128xi32, #tpu.memory_space<vmem>>
      %dma_wait3A_159 = arith.constant 0 : i32
      %dma_wait3A_160 = arith.constant 0 : i32
      %dma_wait3A_161 = tpu.memref_slice %arg12[%dma_wait3A_159, %dma_wait3A_160] : memref<10240x128xf32, #tpu.memory_space<vmem_shared>> -> memref<10240x128xf32, #tpu.memory_space<vmem_shared>>
      tpu.wait_indirect_dma semaphore(%arg16 : memref<!tpu.dma_semaphore, #tpu.memory_space<semaphore_mem>>) src(%arg11 : memref<128x128xf32, #tpu.memory_space<vmem>>) dst(%dma_wait3A_161 : memref<10240x128xf32, #tpu.memory_space<vmem_shared>>)
      %dma_wait3A_162 = arith.constant 0 : i32
      %dma_wait3A_163 = arith.constant 0 : i32
      %dma_wait3A_164 = tpu.memref_slice %arg3[%mul3A_2, %dma_wait3A_162, %dma_wait3A_163] : memref<2560x1x128xi32, #tpu.memory_space<hbm>> -> memref<1x1x128xi32, #tpu.memory_space<hbm>>
      %dma_wait3A_165 = tpu.memref_squeeze %dma_wait3A_164 : memref<1x1x128xi32, #tpu.memory_space<hbm>> -> memref<1x128xi32, #tpu.memory_space<hbm>>
      %dma_wait3A_166 = arith.constant 0 : i32
      %dma_wait3A_167 = arith.constant 0 : i32
      %dma_wait3A_168 = tpu.memref_slice %arg3[%mul3A_2, %dma_wait3A_166, %dma_wait3A_167] : memref<2560x1x128xi32, #tpu.memory_space<hbm>> -> memref<1x1x128xi32, #tpu.memory_space<hbm>>
      %dma_wait3A_169 = tpu.memref_squeeze %dma_wait3A_168 : memref<1x1x128xi32, #tpu.memory_space<hbm>> -> memref<1x128xi32, #tpu.memory_space<hbm>>
      tpu.wait_dma2 semaphore(%arg18 : memref<!tpu.dma_semaphore, #tpu.memory_space<semaphore_mem>>) src(%dma_wait3A_169 : memref<1x128xi32, #tpu.memory_space<hbm>>) dst(%arg8 : memref<1x128xi32, #tpu.memory_space<vmem>>)
      %dma_start3A_170 = arith.constant 0 : i32
      %dma_start3A_171 = arith.constant 0 : i32
      %dma_start3A_172 = tpu.memref_slice %arg8[%dma_start3A_170, %dma_start3A_171] : memref<1x128xi32, #tpu.memory_space<vmem>> -> memref<1x128xi32, #tpu.memory_space<vmem>>
      %dma_start3A_173 = tpu.memref_squeeze %dma_start3A_172 : memref<1x128xi32, #tpu.memory_space<vmem>> -> memref<128xi32, #tpu.memory_space<vmem>>
      %dma_start3A_174 = arith.constant 0 : i32
      %dma_start3A_175 = arith.constant 0 : i32
      %dma_start3A_176 = tpu.memref_slice %arg2[%dma_start3A_174, %dma_start3A_175] : memref<10240x128xf32, #tpu.memory_space<hbm>> -> memref<10240x128xf32, #tpu.memory_space<hbm>>
      tpu.enqueue_indirect_dma source(%dma_start3A_176 : memref<10240x128xf32, #tpu.memory_space<hbm>>) target(%arg11 : memref<128x128xf32, #tpu.memory_space<vmem>>) offsets(%dma_start3A_173 : memref<128xi32, #tpu.memory_space<vmem>>) semaphore(%arg14 : memref<!tpu.dma_semaphore, #tpu.memory_space<semaphore_mem>>)
    }
    %scan3A_23 = arith.constant 39 : i32
    %dma_wait3A = arith.constant 0 : i32
    %dma_wait3A_24 = arith.constant 0 : i32
    %dma_wait3A_25 = tpu.memref_slice %arg7[%dma_wait3A, %dma_wait3A_24] : memref<1x128xi32, #tpu.memory_space<vmem>> -> memref<1x128xi32, #tpu.memory_space<vmem>>
    %dma_wait3A_26 = tpu.memref_squeeze %dma_wait3A_25 : memref<1x128xi32, #tpu.memory_space<vmem>> -> memref<128xi32, #tpu.memory_space<vmem>>
    %dma_wait3A_27 = arith.constant 0 : i32
    %dma_wait3A_28 = arith.constant 0 : i32
    %dma_wait3A_29 = tpu.memref_slice %arg2[%dma_wait3A_27, %dma_wait3A_28] : memref<10240x128xf32, #tpu.memory_space<hbm>> -> memref<10240x128xf32, #tpu.memory_space<hbm>>
    tpu.wait_indirect_dma semaphore(%arg13 : memref<!tpu.dma_semaphore, #tpu.memory_space<semaphore_mem>>) src(%dma_wait3A_29 : memref<10240x128xf32, #tpu.memory_space<hbm>>) dst(%arg10 : memref<128x128xf32, #tpu.memory_space<vmem>>)
    %dma_start3A_30 = arith.constant 78 : i32
    %dma_start3A_31 = arith.constant 0 : i32
    %dma_start3A_32 = arith.constant 0 : i32
    %dma_start3A_33 = tpu.memref_slice %arg9[%dma_start3A_30, %dma_start3A_31, %dma_start3A_32] : memref<80x1x128xi32, #tpu.memory_space<vmem>> -> memref<1x1x128xi32, #tpu.memory_space<vmem>>
    %dma_start3A_34 = tpu.memref_squeeze %dma_start3A_33 : memref<1x1x128xi32, #tpu.memory_space<vmem>> -> memref<128xi32, #tpu.memory_space<vmem>>
    %dma_start3A_35 = arith.constant 0 : i32
    %dma_start3A_36 = arith.constant 0 : i32
    %dma_start3A_37 = tpu.memref_slice %arg12[%dma_start3A_35, %dma_start3A_36] : memref<10240x128xf32, #tpu.memory_space<vmem_shared>> -> memref<10240x128xf32, #tpu.memory_space<vmem_shared>>
    tpu.enqueue_indirect_dma source(%arg10 : memref<128x128xf32, #tpu.memory_space<vmem>>) target(%dma_start3A_37 : memref<10240x128xf32, #tpu.memory_space<vmem_shared>>) offsets(%dma_start3A_34 : memref<128xi32, #tpu.memory_space<vmem>>) semaphore(%arg15 : memref<!tpu.dma_semaphore, #tpu.memory_space<semaphore_mem>>) {add = true}
    %dma_wait3A_38 = arith.constant 0 : i32
    %dma_wait3A_39 = arith.constant 0 : i32
    %dma_wait3A_40 = tpu.memref_slice %arg8[%dma_wait3A_38, %dma_wait3A_39] : memref<1x128xi32, #tpu.memory_space<vmem>> -> memref<1x128xi32, #tpu.memory_space<vmem>>
    %dma_wait3A_41 = tpu.memref_squeeze %dma_wait3A_40 : memref<1x128xi32, #tpu.memory_space<vmem>> -> memref<128xi32, #tpu.memory_space<vmem>>
    %dma_wait3A_42 = arith.constant 0 : i32
    %dma_wait3A_43 = arith.constant 0 : i32
    %dma_wait3A_44 = tpu.memref_slice %arg2[%dma_wait3A_42, %dma_wait3A_43] : memref<10240x128xf32, #tpu.memory_space<hbm>> -> memref<10240x128xf32, #tpu.memory_space<hbm>>
    tpu.wait_indirect_dma semaphore(%arg14 : memref<!tpu.dma_semaphore, #tpu.memory_space<semaphore_mem>>) src(%dma_wait3A_44 : memref<10240x128xf32, #tpu.memory_space<hbm>>) dst(%arg11 : memref<128x128xf32, #tpu.memory_space<vmem>>)
    %dma_start3A_45 = arith.constant 79 : i32
    %dma_start3A_46 = arith.constant 0 : i32
    %dma_start3A_47 = arith.constant 0 : i32
    %dma_start3A_48 = tpu.memref_slice %arg9[%dma_start3A_45, %dma_start3A_46, %dma_start3A_47] : memref<80x1x128xi32, #tpu.memory_space<vmem>> -> memref<1x1x128xi32, #tpu.memory_space<vmem>>
    %dma_start3A_49 = tpu.memref_squeeze %dma_start3A_48 : memref<1x1x128xi32, #tpu.memory_space<vmem>> -> memref<128xi32, #tpu.memory_space<vmem>>
    %dma_start3A_50 = arith.constant 0 : i32
    %dma_start3A_51 = arith.constant 0 : i32
    %dma_start3A_52 = tpu.memref_slice %arg12[%dma_start3A_50, %dma_start3A_51] : memref<10240x128xf32, #tpu.memory_space<vmem_shared>> -> memref<10240x128xf32, #tpu.memory_space<vmem_shared>>
    tpu.enqueue_indirect_dma source(%arg11 : memref<128x128xf32, #tpu.memory_space<vmem>>) target(%dma_start3A_52 : memref<10240x128xf32, #tpu.memory_space<vmem_shared>>) offsets(%dma_start3A_49 : memref<128xi32, #tpu.memory_space<vmem>>) semaphore(%arg16 : memref<!tpu.dma_semaphore, #tpu.memory_space<semaphore_mem>>) {add = true}
    %dma_wait3A_53 = arith.constant 78 : i32
    %dma_wait3A_54 = arith.constant 0 : i32
    %dma_wait3A_55 = arith.constant 0 : i32
    %dma_wait3A_56 = tpu.memref_slice %arg9[%dma_wait3A_53, %dma_wait3A_54, %dma_wait3A_55] : memref<80x1x128xi32, #tpu.memory_space<vmem>> -> memref<1x1x128xi32, #tpu.memory_space<vmem>>
    %dma_wait3A_57 = tpu.memref_squeeze %dma_wait3A_56 : memref<1x1x128xi32, #tpu.memory_space<vmem>> -> memref<128xi32, #tpu.memory_space<vmem>>
    %dma_wait3A_58 = arith.constant 0 : i32
    %dma_wait3A_59 = arith.constant 0 : i32
    %dma_wait3A_60 = tpu.memref_slice %arg12[%dma_wait3A_58, %dma_wait3A_59] : memref<10240x128xf32, #tpu.memory_space<vmem_shared>> -> memref<10240x128xf32, #tpu.memory_space<vmem_shared>>
    tpu.wait_indirect_dma semaphore(%arg15 : memref<!tpu.dma_semaphore, #tpu.memory_space<semaphore_mem>>) src(%arg10 : memref<128x128xf32, #tpu.memory_space<vmem>>) dst(%dma_wait3A_60 : memref<10240x128xf32, #tpu.memory_space<vmem_shared>>)
    %dma_wait3A_61 = arith.constant 79 : i32
    %dma_wait3A_62 = arith.constant 0 : i32
    %dma_wait3A_63 = arith.constant 0 : i32
    %dma_wait3A_64 = tpu.memref_slice %arg9[%dma_wait3A_61, %dma_wait3A_62, %dma_wait3A_63] : memref<80x1x128xi32, #tpu.memory_space<vmem>> -> memref<1x1x128xi32, #tpu.memory_space<vmem>>
    %dma_wait3A_65 = tpu.memref_squeeze %dma_wait3A_64 : memref<1x1x128xi32, #tpu.memory_space<vmem>> -> memref<128xi32, #tpu.memory_space<vmem>>
    %dma_wait3A_66 = arith.constant 0 : i32
    %dma_wait3A_67 = arith.constant 0 : i32
    %dma_wait3A_68 = tpu.memref_slice %arg12[%dma_wait3A_66, %dma_wait3A_67] : memref<10240x128xf32, #tpu.memory_space<vmem_shared>> -> memref<10240x128xf32, #tpu.memory_space<vmem_shared>>
    tpu.wait_indirect_dma semaphore(%arg16 : memref<!tpu.dma_semaphore, #tpu.memory_space<semaphore_mem>>) src(%arg11 : memref<128x128xf32, #tpu.memory_space<vmem>>) dst(%dma_wait3A_68 : memref<10240x128xf32, #tpu.memory_space<vmem_shared>>)
    %barrier3A_69 = arith.constant 0 : index
    tpu.barrier barrier_id(%barrier3A_69)
    %mul3A_70 = arith.constant 640 : i32
    %mul3A_71 = arith.muli %arg1, %mul3A_70 : i32
    %mul3A_72 = arith.constant 640 : i32
    %mul3A_73 = arith.muli %arg1, %mul3A_72 : i32
    "tpu.region"() ({
      %run_scoped3A = tpu.sem_alloc : memref<!tpu.dma_semaphore, #tpu.memory_space<semaphore_mem>>
      %dma_start3A_74 = arith.constant 0 : i32
      %dma_start3A_75 = tpu.memref_slice %arg6[%arg0, %mul3A_73, %dma_start3A_74] : memref<2x10240x128xf32, #tpu.memory_space<hbm>> -> memref<1x640x128xf32, #tpu.memory_space<hbm>>
      %dma_start3A_76 = tpu.memref_squeeze %dma_start3A_75 : memref<1x640x128xf32, #tpu.memory_space<hbm>> -> memref<640x128xf32, #tpu.memory_space<hbm>>
      %dma_start3A_77 = arith.constant 0 : i32
      %dma_start3A_78 = tpu.memref_slice %arg12[%mul3A_71, %dma_start3A_77] : memref<10240x128xf32, #tpu.memory_space<vmem_shared>> -> memref<640x128xf32, #tpu.memory_space<vmem_shared>>
      tpu.enqueue_dma source(%dma_start3A_78 : memref<640x128xf32, #tpu.memory_space<vmem_shared>>) target(%dma_start3A_76 : memref<640x128xf32, #tpu.memory_space<hbm>>) target_semaphore(%run_scoped3A : memref<!tpu.dma_semaphore, #tpu.memory_space<semaphore_mem>>)
      %dma_wait3A_79 = arith.constant 0 : i32
      %dma_wait3A_80 = tpu.memref_slice %arg6[%arg0, %mul3A_73, %dma_wait3A_79] : memref<2x10240x128xf32, #tpu.memory_space<hbm>> -> memref<1x640x128xf32, #tpu.memory_space<hbm>>
      %dma_wait3A_81 = tpu.memref_squeeze %dma_wait3A_80 : memref<1x640x128xf32, #tpu.memory_space<hbm>> -> memref<640x128xf32, #tpu.memory_space<hbm>>
      %dma_wait3A_82 = arith.constant 0 : i32
      %dma_wait3A_83 = tpu.memref_slice %arg12[%mul3A_71, %dma_wait3A_82] : memref<10240x128xf32, #tpu.memory_space<vmem_shared>> -> memref<640x128xf32, #tpu.memory_space<vmem_shared>>
      tpu.wait_dma2 semaphore(%run_scoped3A : memref<!tpu.dma_semaphore, #tpu.memory_space<semaphore_mem>>) src(%dma_wait3A_83 : memref<640x128xf32, #tpu.memory_space<vmem_shared>>) dst(%dma_wait3A_81 : memref<640x128xf32, #tpu.memory_space<hbm>>)
      tpu.yield
    }) : () -> ()
    return
  }
}

#map = affine_map<(d0, d1) -> (0, 0)>
#map1 = affine_map<(d0, d1) -> (0, 0, 0)>
module attributes {stable_mosaic.version = 14 : i64} {
  func.func @k(%arg0: i32, %arg1: i32, %arg2: memref<10240x128xf32, #tpu.memory_space<hbm>>, %arg3: memref<2560x1x128xi32, #tpu.memory_space<hbm>>, %arg4: memref<2560x1x128xi32, #tpu.memory_space<hbm>>, %arg5: memref<640x128xf32, #tpu.memory_space<hbm>>, %arg6: memref<2x10240x128xf32, #tpu.memory_space<hbm>>, %arg7: memref<1x128xi32, #tpu.memory_space<vmem>>, %arg8: memref<1x128xi32, #tpu.memory_space<vmem>>, %arg9: memref<80x1x128xi32, #tpu.memory_space<vmem>>, %arg10: memref<128x128xf32, #tpu.memory_space<vmem>>, %arg11: memref<128x128xf32, #tpu.memory_space<vmem>>, %arg12: memref<10240x128xf32, #tpu.memory_space<vmem_shared>>, %arg13: memref<!tpu.dma_semaphore, #tpu.memory_space<semaphore_mem>>, %arg14: memref<!tpu.dma_semaphore, #tpu.memory_space<semaphore_mem>>, %arg15: memref<!tpu.dma_semaphore, #tpu.memory_space<semaphore_mem>>, %arg16: memref<!tpu.dma_semaphore, #tpu.memory_space<semaphore_mem>>, %arg17: memref<!tpu.dma_semaphore, #tpu.memory_space<semaphore_mem>>, %arg18: memref<!tpu.dma_semaphore, #tpu.memory_space<semaphore_mem>>) attributes {dimension_semantics = [#tpu.dimension_semantics<core_parallel>, #tpu.dimension_semantics<subcore_parallel>], iteration_bounds = array<i64: 2, 16>, scalar_prefetch = 0 : i64, scratch_operands = 12 : i64, tpu.core_type = #tpu.core_type<sc_vector_subcore>, window_params = [{transform_indices = #map}, {transform_indices = #map1}, {transform_indices = #map1}, {transform_indices = #map}, {transform_indices = #map1}]} {
    %mul3A = arith.constant 2 : i32
    %mul3A_0 = arith.muli %arg1, %mul3A : i32
    %add3A = arith.addi %mul3A_0, %arg0 : i32
    %mul3A_1 = arith.constant 80 : i32
    %mul3A_2 = arith.muli %add3A, %mul3A_1 : i32
    "tpu.region"() ({
      %run_scoped3A = tpu.sem_alloc : memref<!tpu.dma_semaphore, #tpu.memory_space<semaphore_mem>>
      %dma_start3A_74 = arith.constant 0 : i32
      %dma_start3A_75 = arith.constant 0 : i32
      %dma_start3A_76 = tpu.memref_slice %arg3[%mul3A_2, %dma_start3A_74, %dma_start3A_75] : memref<2560x1x128xi32, #tpu.memory_space<hbm>> -> memref<1x1x128xi32, #tpu.memory_space<hbm>>
      %dma_start3A_77 = tpu.memref_squeeze %dma_start3A_76 : memref<1x1x128xi32, #tpu.memory_space<hbm>> -> memref<1x128xi32, #tpu.memory_space<hbm>>
      %dma_start3A_78 = arith.constant 0 : i32
      %dma_start3A_79 = arith.constant 0 : i32
      %dma_start3A_80 = tpu.memref_slice %arg3[%mul3A_2, %dma_start3A_78, %dma_start3A_79] : memref<2560x1x128xi32, #tpu.memory_space<hbm>> -> memref<1x1x128xi32, #tpu.memory_space<hbm>>
      %dma_start3A_81 = tpu.memref_squeeze %dma_start3A_80 : memref<1x1x128xi32, #tpu.memory_space<hbm>> -> memref<1x128xi32, #tpu.memory_space<hbm>>
      tpu.enqueue_dma source(%dma_start3A_81 : memref<1x128xi32, #tpu.memory_space<hbm>>) target(%arg7 : memref<1x128xi32, #tpu.memory_space<vmem>>) target_semaphore(%run_scoped3A : memref<!tpu.dma_semaphore, #tpu.memory_space<semaphore_mem>>)
      %dma_wait3A_82 = arith.constant 0 : i32
      %dma_wait3A_83 = arith.constant 0 : i32
      %dma_wait3A_84 = tpu.memref_slice %arg3[%mul3A_2, %dma_wait3A_82, %dma_wait3A_83] : memref<2560x1x128xi32, #tpu.memory_space<hbm>> -> memref<1x1x128xi32, #tpu.memory_space<hbm>>
      %dma_wait3A_85 = tpu.memref_squeeze %dma_wait3A_84 : memref<1x1x128xi32, #tpu.memory_space<hbm>> -> memref<1x128xi32, #tpu.memory_space<hbm>>
      %dma_wait3A_86 = arith.constant 0 : i32
      %dma_wait3A_87 = arith.constant 0 : i32
      %dma_wait3A_88 = tpu.memref_slice %arg3[%mul3A_2, %dma_wait3A_86, %dma_wait3A_87] : memref<2560x1x128xi32, #tpu.memory_space<hbm>> -> memref<1x1x128xi32, #tpu.memory_space<hbm>>
      %dma_wait3A_89 = tpu.memref_squeeze %dma_wait3A_88 : memref<1x1x128xi32, #tpu.memory_space<hbm>> -> memref<1x128xi32, #tpu.memory_space<hbm>>
      tpu.wait_dma2 semaphore(%run_scoped3A : memref<!tpu.dma_semaphore, #tpu.memory_space<semaphore_mem>>) src(%dma_wait3A_89 : memref<1x128xi32, #tpu.memory_space<hbm>>) dst(%arg7 : memref<1x128xi32, #tpu.memory_space<vmem>>)
      tpu.yield
    }) : () -> ()
    %add3A_3 = arith.constant 1 : i32
    %add3A_4 = arith.addi %mul3A_2, %add3A_3 : i32
    "tpu.region"() ({
      %run_scoped3A = tpu.sem_alloc : memref<!tpu.dma_semaphore, #tpu.memory_space<semaphore_mem>>
      %dma_start3A_74 = arith.constant 0 : i32
      %dma_start3A_75 = arith.constant 0 : i32
      %dma_start3A_76 = tpu.memref_slice %arg3[%add3A_4, %dma_start3A_74, %dma_start3A_75] : memref<2560x1x128xi32, #tpu.memory_space<hbm>> -> memref<1x1x128xi32, #tpu.memory_space<hbm>>
      %dma_start3A_77 = tpu.memref_squeeze %dma_start3A_76 : memref<1x1x128xi32, #tpu.memory_space<hbm>> -> memref<1x128xi32, #tpu.memory_space<hbm>>
      %dma_start3A_78 = arith.constant 0 : i32
      %dma_start3A_79 = arith.constant 0 : i32
      %dma_start3A_80 = tpu.memref_slice %arg3[%add3A_4, %dma_start3A_78, %dma_start3A_79] : memref<2560x1x128xi32, #tpu.memory_space<hbm>> -> memref<1x1x128xi32, #tpu.memory_space<hbm>>
      %dma_start3A_81 = tpu.memref_squeeze %dma_start3A_80 : memref<1x1x128xi32, #tpu.memory_space<hbm>> -> memref<1x128xi32, #tpu.memory_space<hbm>>
      tpu.enqueue_dma source(%dma_start3A_81 : memref<1x128xi32, #tpu.memory_space<hbm>>) target(%arg8 : memref<1x128xi32, #tpu.memory_space<vmem>>) target_semaphore(%run_scoped3A : memref<!tpu.dma_semaphore, #tpu.memory_space<semaphore_mem>>)
      %dma_wait3A_82 = arith.constant 0 : i32
      %dma_wait3A_83 = arith.constant 0 : i32
      %dma_wait3A_84 = tpu.memref_slice %arg3[%add3A_4, %dma_wait3A_82, %dma_wait3A_83] : memref<2560x1x128xi32, #tpu.memory_space<hbm>> -> memref<1x1x128xi32, #tpu.memory_space<hbm>>
      %dma_wait3A_85 = tpu.memref_squeeze %dma_wait3A_84 : memref<1x1x128xi32, #tpu.memory_space<hbm>> -> memref<1x128xi32, #tpu.memory_space<hbm>>
      %dma_wait3A_86 = arith.constant 0 : i32
      %dma_wait3A_87 = arith.constant 0 : i32
      %dma_wait3A_88 = tpu.memref_slice %arg3[%add3A_4, %dma_wait3A_86, %dma_wait3A_87] : memref<2560x1x128xi32, #tpu.memory_space<hbm>> -> memref<1x1x128xi32, #tpu.memory_space<hbm>>
      %dma_wait3A_89 = tpu.memref_squeeze %dma_wait3A_88 : memref<1x1x128xi32, #tpu.memory_space<hbm>> -> memref<1x128xi32, #tpu.memory_space<hbm>>
      tpu.wait_dma2 semaphore(%run_scoped3A : memref<!tpu.dma_semaphore, #tpu.memory_space<semaphore_mem>>) src(%dma_wait3A_89 : memref<1x128xi32, #tpu.memory_space<hbm>>) dst(%arg8 : memref<1x128xi32, #tpu.memory_space<vmem>>)
      tpu.yield
    }) : () -> ()
    %dma_start3A = arith.constant 0 : i32
    %dma_start3A_5 = arith.constant 0 : i32
    %dma_start3A_6 = tpu.memref_slice %arg7[%dma_start3A, %dma_start3A_5] : memref<1x128xi32, #tpu.memory_space<vmem>> -> memref<1x128xi32, #tpu.memory_space<vmem>>
    %dma_start3A_7 = tpu.memref_squeeze %dma_start3A_6 : memref<1x128xi32, #tpu.memory_space<vmem>> -> memref<128xi32, #tpu.memory_space<vmem>>
    %dma_start3A_8 = arith.constant 0 : i32
    %dma_start3A_9 = arith.constant 0 : i32
    %dma_start3A_10 = tpu.memref_slice %arg2[%dma_start3A_8, %dma_start3A_9] : memref<10240x128xf32, #tpu.memory_space<hbm>> -> memref<10240x128xf32, #tpu.memory_space<hbm>>
    tpu.enqueue_indirect_dma source(%dma_start3A_10 : memref<10240x128xf32, #tpu.memory_space<hbm>>) target(%arg10 : memref<128x128xf32, #tpu.memory_space<vmem>>) offsets(%dma_start3A_7 : memref<128xi32, #tpu.memory_space<vmem>>) semaphore(%arg13 : memref<!tpu.dma_semaphore, #tpu.memory_space<semaphore_mem>>)
    %dma_start3A_11 = arith.constant 0 : i32
    %dma_start3A_12 = arith.constant 0 : i32
    %dma_start3A_13 = tpu.memref_slice %arg8[%dma_start3A_11, %dma_start3A_12] : memref<1x128xi32, #tpu.memory_space<vmem>> -> memref<1x128xi32, #tpu.memory_space<vmem>>
    %dma_start3A_14 = tpu.memref_squeeze %dma_start3A_13 : memref<1x128xi32, #tpu.memory_space<vmem>> -> memref<128xi32, #tpu.memory_space<vmem>>
    %dma_start3A_15 = arith.constant 0 : i32
    %dma_start3A_16 = arith.constant 0 : i32
    %dma_start3A_17 = tpu.memref_slice %arg2[%dma_start3A_15, %dma_start3A_16] : memref<10240x128xf32, #tpu.memory_space<hbm>> -> memref<10240x128xf32, #tpu.memory_space<hbm>>
    tpu.enqueue_indirect_dma source(%dma_start3A_17 : memref<10240x128xf32, #tpu.memory_space<hbm>>) target(%arg11 : memref<128x128xf32, #tpu.memory_space<vmem>>) offsets(%dma_start3A_14 : memref<128xi32, #tpu.memory_space<vmem>>) semaphore(%arg14 : memref<!tpu.dma_semaphore, #tpu.memory_space<semaphore_mem>>)
    "tpu.region"() ({
      %run_scoped3A = tpu.sem_alloc : memref<!tpu.dma_semaphore, #tpu.memory_space<semaphore_mem>>
      %dma_start3A_74 = arith.constant 0 : i32
      %dma_start3A_75 = arith.constant 0 : i32
      %dma_start3A_76 = tpu.memref_slice %arg4[%mul3A_2, %dma_start3A_74, %dma_start3A_75] : memref<2560x1x128xi32, #tpu.memory_space<hbm>> -> memref<80x1x128xi32, #tpu.memory_space<hbm>>
      %dma_start3A_77 = arith.constant 0 : i32
      %dma_start3A_78 = arith.constant 0 : i32
      %dma_start3A_79 = tpu.memref_slice %arg4[%mul3A_2, %dma_start3A_77, %dma_start3A_78] : memref<2560x1x128xi32, #tpu.memory_space<hbm>> -> memref<80x1x128xi32, #tpu.memory_space<hbm>>
      tpu.enqueue_dma source(%dma_start3A_79 : memref<80x1x128xi32, #tpu.memory_space<hbm>>) target(%arg9 : memref<80x1x128xi32, #tpu.memory_space<vmem>>) target_semaphore(%run_scoped3A : memref<!tpu.dma_semaphore, #tpu.memory_space<semaphore_mem>>)
      %dma_wait3A_80 = arith.constant 0 : i32
      %dma_wait3A_81 = arith.constant 0 : i32
      %dma_wait3A_82 = tpu.memref_slice %arg4[%mul3A_2, %dma_wait3A_80, %dma_wait3A_81] : memref<2560x1x128xi32, #tpu.memory_space<hbm>> -> memref<80x1x128xi32, #tpu.memory_space<hbm>>
      %dma_wait3A_83 = arith.constant 0 : i32
      %dma_wait3A_84 = arith.constant 0 : i32
      %dma_wait3A_85 = tpu.memref_slice %arg4[%mul3A_2, %dma_wait3A_83, %dma_wait3A_84] : memref<2560x1x128xi32, #tpu.memory_space<hbm>> -> memref<80x1x128xi32, #tpu.memory_space<hbm>>
      tpu.wait_dma2 semaphore(%run_scoped3A : memref<!tpu.dma_semaphore, #tpu.memory_space<semaphore_mem>>) src(%dma_wait3A_85 : memref<80x1x128xi32, #tpu.memory_space<hbm>>) dst(%arg9 : memref<80x1x128xi32, #tpu.memory_space<vmem>>)
      tpu.yield
    }) : () -> ()
    %mul3A_18 = arith.constant 640 : i32
    %mul3A_19 = arith.muli %arg1, %mul3A_18 : i32
    "tpu.region"() ({
      %run_scoped3A = tpu.sem_alloc : memref<!tpu.dma_semaphore, #tpu.memory_space<semaphore_mem>>
      %dma_start3A_74 = arith.constant 0 : i32
      %dma_start3A_75 = tpu.memref_slice %arg12[%mul3A_19, %dma_start3A_74] : memref<10240x128xf32, #tpu.memory_space<vmem_shared>> -> memref<640x128xf32, #tpu.memory_space<vmem_shared>>
      tpu.enqueue_dma source(%arg5 : memref<640x128xf32, #tpu.memory_space<hbm>>) target(%dma_start3A_75 : memref<640x128xf32, #tpu.memory_space<vmem_shared>>) target_semaphore(%run_scoped3A : memref<!tpu.dma_semaphore, #tpu.memory_space<semaphore_mem>>)
      %dma_wait3A_76 = arith.constant 0 : i32
      %dma_wait3A_77 = tpu.memref_slice %arg12[%mul3A_19, %dma_wait3A_76] : memref<10240x128xf32, #tpu.memory_space<vmem_shared>> -> memref<640x128xf32, #tpu.memory_space<vmem_shared>>
      tpu.wait_dma2 semaphore(%run_scoped3A : memref<!tpu.dma_semaphore, #tpu.memory_space<semaphore_mem>>) src(%arg5 : memref<640x128xf32, #tpu.memory_space<hbm>>) dst(%dma_wait3A_77 : memref<640x128xf32, #tpu.memory_space<vmem_shared>>)
      tpu.yield
    }) : () -> ()
    %barrier3A = arith.constant 0 : index
    tpu.barrier barrier_id(%barrier3A)
    %scan3A = arith.constant 0 : i32
    %scan3A_20 = arith.constant 39 : i32
    %scan3A_21 = arith.addi %scan3A, %scan3A_20 : i32
    %scan3A_22 = arith.constant 1 : i32
    scf.for %scan3A_74 = %scan3A to %scan3A_21 step %scan3A_22  : i32 {
      %mul3A_75 = arith.constant 2 : i32
      %mul3A_76 = arith.muli %scan3A_74, %mul3A_75 : i32
      %add3A_77 = arith.constant 0 : i32
      %add3A_78 = arith.addi %add3A_77, %mul3A_76 : i32
      %dma_wait3A_79 = arith.constant 0 : i32
      %dma_wait3A_80 = arith.constant 0 : i32
      %dma_wait3A_81 = tpu.memref_slice %arg7[%dma_wait3A_79, %dma_wait3A_80] : memref<1x128xi32, #tpu.memory_space<vmem>> -> memref<1x128xi32, #tpu.memory_space<vmem>>
      %dma_wait3A_82 = tpu.memref_squeeze %dma_wait3A_81 : memref<1x128xi32, #tpu.memory_space<vmem>> -> memref<128xi32, #tpu.memory_space<vmem>>
      %dma_wait3A_83 = arith.constant 0 : i32
      %dma_wait3A_84 = arith.constant 0 : i32
      %dma_wait3A_85 = tpu.memref_slice %arg2[%dma_wait3A_83, %dma_wait3A_84] : memref<10240x128xf32, #tpu.memory_space<hbm>> -> memref<10240x128xf32, #tpu.memory_space<hbm>>
      tpu.wait_indirect_dma semaphore(%arg13 : memref<!tpu.dma_semaphore, #tpu.memory_space<semaphore_mem>>) src(%dma_wait3A_85 : memref<10240x128xf32, #tpu.memory_space<hbm>>) dst(%arg10 : memref<128x128xf32, #tpu.memory_space<vmem>>)
      %dma_start3A_86 = arith.constant 0 : i32
      %dma_start3A_87 = arith.constant 0 : i32
      %dma_start3A_88 = tpu.memref_slice %arg9[%add3A_78, %dma_start3A_86, %dma_start3A_87] : memref<80x1x128xi32, #tpu.memory_space<vmem>> -> memref<1x1x128xi32, #tpu.memory_space<vmem>>
      %dma_start3A_89 = tpu.memref_squeeze %dma_start3A_88 : memref<1x1x128xi32, #tpu.memory_space<vmem>> -> memref<128xi32, #tpu.memory_space<vmem>>
      %dma_start3A_90 = arith.constant 0 : i32
      %dma_start3A_91 = arith.constant 0 : i32
      %dma_start3A_92 = tpu.memref_slice %arg12[%dma_start3A_90, %dma_start3A_91] : memref<10240x128xf32, #tpu.memory_space<vmem_shared>> -> memref<10240x128xf32, #tpu.memory_space<vmem_shared>>
      tpu.enqueue_indirect_dma source(%arg10 : memref<128x128xf32, #tpu.memory_space<vmem>>) target(%dma_start3A_92 : memref<10240x128xf32, #tpu.memory_space<vmem_shared>>) offsets(%dma_start3A_89 : memref<128xi32, #tpu.memory_space<vmem>>) semaphore(%arg15 : memref<!tpu.dma_semaphore, #tpu.memory_space<semaphore_mem>>) {add = true}
      %add3A_93 = arith.addi %mul3A_2, %add3A_78 : i32
      %add3A_94 = arith.constant 2 : i32
      %add3A_95 = arith.addi %add3A_93, %add3A_94 : i32
      %dma_start3A_96 = arith.constant 0 : i32
      %dma_start3A_97 = arith.constant 0 : i32
      %dma_start3A_98 = tpu.memref_slice %arg3[%add3A_95, %dma_start3A_96, %dma_start3A_97] : memref<2560x1x128xi32, #tpu.memory_space<hbm>> -> memref<1x1x128xi32, #tpu.memory_space<hbm>>
      %dma_start3A_99 = tpu.memref_squeeze %dma_start3A_98 : memref<1x1x128xi32, #tpu.memory_space<hbm>> -> memref<1x128xi32, #tpu.memory_space<hbm>>
      %dma_start3A_100 = arith.constant 0 : i32
      %dma_start3A_101 = arith.constant 0 : i32
      %dma_start3A_102 = tpu.memref_slice %arg3[%add3A_95, %dma_start3A_100, %dma_start3A_101] : memref<2560x1x128xi32, #tpu.memory_space<hbm>> -> memref<1x1x128xi32, #tpu.memory_space<hbm>>
      %dma_start3A_103 = tpu.memref_squeeze %dma_start3A_102 : memref<1x1x128xi32, #tpu.memory_space<hbm>> -> memref<1x128xi32, #tpu.memory_space<hbm>>
      tpu.enqueue_dma source(%dma_start3A_103 : memref<1x128xi32, #tpu.memory_space<hbm>>) target(%arg7 : memref<1x128xi32, #tpu.memory_space<vmem>>) target_semaphore(%arg17 : memref<!tpu.dma_semaphore, #tpu.memory_space<semaphore_mem>>)
      %dma_wait3A_104 = arith.constant 0 : i32
      %dma_wait3A_105 = arith.constant 0 : i32
      %dma_wait3A_106 = tpu.memref_slice %arg8[%dma_wait3A_104, %dma_wait3A_105] : memref<1x128xi32, #tpu.memory_space<vmem>> -> memref<1x128xi32, #tpu.memory_space<vmem>>
      %dma_wait3A_107 = tpu.memref_squeeze %dma_wait3A_106 : memref<1x128xi32, #tpu.memory_space<vmem>> -> memref<128xi32, #tpu.memory_space<vmem>>
      %dma_wait3A_108 = arith.constant 0 : i32
      %dma_wait3A_109 = arith.constant 0 : i32
      %dma_wait3A_110 = tpu.memref_slice %arg2[%dma_wait3A_108, %dma_wait3A_109] : memref<10240x128xf32, #tpu.memory_space<hbm>> -> memref<10240x128xf32, #tpu.memory_space<hbm>>
      tpu.wait_indirect_dma semaphore(%arg14 : memref<!tpu.dma_semaphore, #tpu.memory_space<semaphore_mem>>) src(%dma_wait3A_110 : memref<10240x128xf32, #tpu.memory_space<hbm>>) dst(%arg11 : memref<128x128xf32, #tpu.memory_space<vmem>>)
      %add3A_111 = arith.constant 1 : i32
      %add3A_112 = arith.addi %add3A_78, %add3A_111 : i32
      %dma_start3A_113 = arith.constant 0 : i32
      %dma_start3A_114 = arith.constant 0 : i32
      %dma_start3A_115 = tpu.memref_slice %arg9[%add3A_112, %dma_start3A_113, %dma_start3A_114] : memref<80x1x128xi32, #tpu.memory_space<vmem>> -> memref<1x1x128xi32, #tpu.memory_space<vmem>>
      %dma_start3A_116 = tpu.memref_squeeze %dma_start3A_115 : memref<1x1x128xi32, #tpu.memory_space<vmem>> -> memref<128xi32, #tpu.memory_space<vmem>>
      %dma_start3A_117 = arith.constant 0 : i32
      %dma_start3A_118 = arith.constant 0 : i32
      %dma_start3A_119 = tpu.memref_slice %arg12[%dma_start3A_117, %dma_start3A_118] : memref<10240x128xf32, #tpu.memory_space<vmem_shared>> -> memref<10240x128xf32, #tpu.memory_space<vmem_shared>>
      tpu.enqueue_indirect_dma source(%arg11 : memref<128x128xf32, #tpu.memory_space<vmem>>) target(%dma_start3A_119 : memref<10240x128xf32, #tpu.memory_space<vmem_shared>>) offsets(%dma_start3A_116 : memref<128xi32, #tpu.memory_space<vmem>>) semaphore(%arg16 : memref<!tpu.dma_semaphore, #tpu.memory_space<semaphore_mem>>) {add = true}
      %add3A_120 = arith.addi %mul3A_2, %add3A_78 : i32
      %add3A_121 = arith.constant 3 : i32
      %add3A_122 = arith.addi %add3A_120, %add3A_121 : i32
      %dma_start3A_123 = arith.constant 0 : i32
      %dma_start3A_124 = arith.constant 0 : i32
      %dma_start3A_125 = tpu.memref_slice %arg3[%add3A_122, %dma_start3A_123, %dma_start3A_124] : memref<2560x1x128xi32, #tpu.memory_space<hbm>> -> memref<1x1x128xi32, #tpu.memory_space<hbm>>
      %dma_start3A_126 = tpu.memref_squeeze %dma_start3A_125 : memref<1x1x128xi32, #tpu.memory_space<hbm>> -> memref<1x128xi32, #tpu.memory_space<hbm>>
      %dma_start3A_127 = arith.constant 0 : i32
      %dma_start3A_128 = arith.constant 0 : i32
      %dma_start3A_129 = tpu.memref_slice %arg3[%add3A_122, %dma_start3A_127, %dma_start3A_128] : memref<2560x1x128xi32, #tpu.memory_space<hbm>> -> memref<1x1x128xi32, #tpu.memory_space<hbm>>
      %dma_start3A_130 = tpu.memref_squeeze %dma_start3A_129 : memref<1x1x128xi32, #tpu.memory_space<hbm>> -> memref<1x128xi32, #tpu.memory_space<hbm>>
      tpu.enqueue_dma source(%dma_start3A_130 : memref<1x128xi32, #tpu.memory_space<hbm>>) target(%arg8 : memref<1x128xi32, #tpu.memory_space<vmem>>) target_semaphore(%arg18 : memref<!tpu.dma_semaphore, #tpu.memory_space<semaphore_mem>>)
      %dma_wait3A_131 = arith.constant 0 : i32
      %dma_wait3A_132 = arith.constant 0 : i32
      %dma_wait3A_133 = tpu.memref_slice %arg9[%add3A_78, %dma_wait3A_131, %dma_wait3A_132] : memref<80x1x128xi32, #tpu.memory_space<vmem>> -> memref<1x1x128xi32, #tpu.memory_space<vmem>>
      %dma_wait3A_134 = tpu.memref_squeeze %dma_wait3A_133 : memref<1x1x128xi32, #tpu.memory_space<vmem>> -> memref<128xi32, #tpu.memory_space<vmem>>
      %dma_wait3A_135 = arith.constant 0 : i32
      %dma_wait3A_136 = arith.constant 0 : i32
      %dma_wait3A_137 = tpu.memref_slice %arg12[%dma_wait3A_135, %dma_wait3A_136] : memref<10240x128xf32, #tpu.memory_space<vmem_shared>> -> memref<10240x128xf32, #tpu.memory_space<vmem_shared>>
      tpu.wait_indirect_dma semaphore(%arg15 : memref<!tpu.dma_semaphore, #tpu.memory_space<semaphore_mem>>) src(%arg10 : memref<128x128xf32, #tpu.memory_space<vmem>>) dst(%dma_wait3A_137 : memref<10240x128xf32, #tpu.memory_space<vmem_shared>>)
      %dma_wait3A_138 = arith.constant 0 : i32
      %dma_wait3A_139 = arith.constant 0 : i32
      %dma_wait3A_140 = tpu.memref_slice %arg3[%mul3A_2, %dma_wait3A_138, %dma_wait3A_139] : memref<2560x1x128xi32, #tpu.memory_space<hbm>> -> memref<1x1x128xi32, #tpu.memory_space<hbm>>
      %dma_wait3A_141 = tpu.memref_squeeze %dma_wait3A_140 : memref<1x1x128xi32, #tpu.memory_space<hbm>> -> memref<1x128xi32, #tpu.memory_space<hbm>>
      %dma_wait3A_142 = arith.constant 0 : i32
      %dma_wait3A_143 = arith.constant 0 : i32
      %dma_wait3A_144 = tpu.memref_slice %arg3[%mul3A_2, %dma_wait3A_142, %dma_wait3A_143] : memref<2560x1x128xi32, #tpu.memory_space<hbm>> -> memref<1x1x128xi32, #tpu.memory_space<hbm>>
      %dma_wait3A_145 = tpu.memref_squeeze %dma_wait3A_144 : memref<1x1x128xi32, #tpu.memory_space<hbm>> -> memref<1x128xi32, #tpu.memory_space<hbm>>
      tpu.wait_dma2 semaphore(%arg17 : memref<!tpu.dma_semaphore, #tpu.memory_space<semaphore_mem>>) src(%dma_wait3A_145 : memref<1x128xi32, #tpu.memory_space<hbm>>) dst(%arg7 : memref<1x128xi32, #tpu.memory_space<vmem>>)
      %dma_start3A_146 = arith.constant 0 : i32
      %dma_start3A_147 = arith.constant 0 : i32
      %dma_start3A_148 = tpu.memref_slice %arg7[%dma_start3A_146, %dma_start3A_147] : memref<1x128xi32, #tpu.memory_space<vmem>> -> memref<1x128xi32, #tpu.memory_space<vmem>>
      %dma_start3A_149 = tpu.memref_squeeze %dma_start3A_148 : memref<1x128xi32, #tpu.memory_space<vmem>> -> memref<128xi32, #tpu.memory_space<vmem>>
      %dma_start3A_150 = arith.constant 0 : i32
      %dma_start3A_151 = arith.constant 0 : i32
      %dma_start3A_152 = tpu.memref_slice %arg2[%dma_start3A_150, %dma_start3A_151] : memref<10240x128xf32, #tpu.memory_space<hbm>> -> memref<10240x128xf32, #tpu.memory_space<hbm>>
      tpu.enqueue_indirect_dma source(%dma_start3A_152 : memref<10240x128xf32, #tpu.memory_space<hbm>>) target(%arg10 : memref<128x128xf32, #tpu.memory_space<vmem>>) offsets(%dma_start3A_149 : memref<128xi32, #tpu.memory_space<vmem>>) semaphore(%arg13 : memref<!tpu.dma_semaphore, #tpu.memory_space<semaphore_mem>>)
      %add3A_153 = arith.constant 1 : i32
      %add3A_154 = arith.addi %add3A_78, %add3A_153 : i32
      %dma_wait3A_155 = arith.constant 0 : i32
      %dma_wait3A_156 = arith.constant 0 : i32
      %dma_wait3A_157 = tpu.memref_slice %arg9[%add3A_154, %dma_wait3A_155, %dma_wait3A_156] : memref<80x1x128xi32, #tpu.memory_space<vmem>> -> memref<1x1x128xi32, #tpu.memory_space<vmem>>
      %dma_wait3A_158 = tpu.memref_squeeze %dma_wait3A_157 : memref<1x1x128xi32, #tpu.memory_space<vmem>> -> memref<128xi32, #tpu.memory_space<vmem>>
      %dma_wait3A_159 = arith.constant 0 : i32
      %dma_wait3A_160 = arith.constant 0 : i32
      %dma_wait3A_161 = tpu.memref_slice %arg12[%dma_wait3A_159, %dma_wait3A_160] : memref<10240x128xf32, #tpu.memory_space<vmem_shared>> -> memref<10240x128xf32, #tpu.memory_space<vmem_shared>>
      tpu.wait_indirect_dma semaphore(%arg16 : memref<!tpu.dma_semaphore, #tpu.memory_space<semaphore_mem>>) src(%arg11 : memref<128x128xf32, #tpu.memory_space<vmem>>) dst(%dma_wait3A_161 : memref<10240x128xf32, #tpu.memory_space<vmem_shared>>)
      %dma_wait3A_162 = arith.constant 0 : i32
      %dma_wait3A_163 = arith.constant 0 : i32
      %dma_wait3A_164 = tpu.memref_slice %arg3[%mul3A_2, %dma_wait3A_162, %dma_wait3A_163] : memref<2560x1x128xi32, #tpu.memory_space<hbm>> -> memref<1x1x128xi32, #tpu.memory_space<hbm>>
      %dma_wait3A_165 = tpu.memref_squeeze %dma_wait3A_164 : memref<1x1x128xi32, #tpu.memory_space<hbm>> -> memref<1x128xi32, #tpu.memory_space<hbm>>
      %dma_wait3A_166 = arith.constant 0 : i32
      %dma_wait3A_167 = arith.constant 0 : i32
      %dma_wait3A_168 = tpu.memref_slice %arg3[%mul3A_2, %dma_wait3A_166, %dma_wait3A_167] : memref<2560x1x128xi32, #tpu.memory_space<hbm>> -> memref<1x1x128xi32, #tpu.memory_space<hbm>>
      %dma_wait3A_169 = tpu.memref_squeeze %dma_wait3A_168 : memref<1x1x128xi32, #tpu.memory_space<hbm>> -> memref<1x128xi32, #tpu.memory_space<hbm>>
      tpu.wait_dma2 semaphore(%arg18 : memref<!tpu.dma_semaphore, #tpu.memory_space<semaphore_mem>>) src(%dma_wait3A_169 : memref<1x128xi32, #tpu.memory_space<hbm>>) dst(%arg8 : memref<1x128xi32, #tpu.memory_space<vmem>>)
      %dma_start3A_170 = arith.constant 0 : i32
      %dma_start3A_171 = arith.constant 0 : i32
      %dma_start3A_172 = tpu.memref_slice %arg8[%dma_start3A_170, %dma_start3A_171] : memref<1x128xi32, #tpu.memory_space<vmem>> -> memref<1x128xi32, #tpu.memory_space<vmem>>
      %dma_start3A_173 = tpu.memref_squeeze %dma_start3A_172 : memref<1x128xi32, #tpu.memory_space<vmem>> -> memref<128xi32, #tpu.memory_space<vmem>>
      %dma_start3A_174 = arith.constant 0 : i32
      %dma_start3A_175 = arith.constant 0 : i32
      %dma_start3A_176 = tpu.memref_slice %arg2[%dma_start3A_174, %dma_start3A_175] : memref<10240x128xf32, #tpu.memory_space<hbm>> -> memref<10240x128xf32, #tpu.memory_space<hbm>>
      tpu.enqueue_indirect_dma source(%dma_start3A_176 : memref<10240x128xf32, #tpu.memory_space<hbm>>) target(%arg11 : memref<128x128xf32, #tpu.memory_space<vmem>>) offsets(%dma_start3A_173 : memref<128xi32, #tpu.memory_space<vmem>>) semaphore(%arg14 : memref<!tpu.dma_semaphore, #tpu.memory_space<semaphore_mem>>)
    }
    %scan3A_23 = arith.constant 39 : i32
    %dma_wait3A = arith.constant 0 : i32
    %dma_wait3A_24 = arith.constant 0 : i32
    %dma_wait3A_25 = tpu.memref_slice %arg7[%dma_wait3A, %dma_wait3A_24] : memref<1x128xi32, #tpu.memory_space<vmem>> -> memref<1x128xi32, #tpu.memory_space<vmem>>
    %dma_wait3A_26 = tpu.memref_squeeze %dma_wait3A_25 : memref<1x128xi32, #tpu.memory_space<vmem>> -> memref<128xi32, #tpu.memory_space<vmem>>
    %dma_wait3A_27 = arith.constant 0 : i32
    %dma_wait3A_28 = arith.constant 0 : i32
    %dma_wait3A_29 = tpu.memref_slice %arg2[%dma_wait3A_27, %dma_wait3A_28] : memref<10240x128xf32, #tpu.memory_space<hbm>> -> memref<10240x128xf32, #tpu.memory_space<hbm>>
    tpu.wait_indirect_dma semaphore(%arg13 : memref<!tpu.dma_semaphore, #tpu.memory_space<semaphore_mem>>) src(%dma_wait3A_29 : memref<10240x128xf32, #tpu.memory_space<hbm>>) dst(%arg10 : memref<128x128xf32, #tpu.memory_space<vmem>>)
    %dma_start3A_30 = arith.constant 78 : i32
    %dma_start3A_31 = arith.constant 0 : i32
    %dma_start3A_32 = arith.constant 0 : i32
    %dma_start3A_33 = tpu.memref_slice %arg9[%dma_start3A_30, %dma_start3A_31, %dma_start3A_32] : memref<80x1x128xi32, #tpu.memory_space<vmem>> -> memref<1x1x128xi32, #tpu.memory_space<vmem>>
    %dma_start3A_34 = tpu.memref_squeeze %dma_start3A_33 : memref<1x1x128xi32, #tpu.memory_space<vmem>> -> memref<128xi32, #tpu.memory_space<vmem>>
    %dma_start3A_35 = arith.constant 0 : i32
    %dma_start3A_36 = arith.constant 0 : i32
    %dma_start3A_37 = tpu.memref_slice %arg12[%dma_start3A_35, %dma_start3A_36] : memref<10240x128xf32, #tpu.memory_space<vmem_shared>> -> memref<10240x128xf32, #tpu.memory_space<vmem_shared>>
    tpu.enqueue_indirect_dma source(%arg10 : memref<128x128xf32, #tpu.memory_space<vmem>>) target(%dma_start3A_37 : memref<10240x128xf32, #tpu.memory_space<vmem_shared>>) offsets(%dma_start3A_34 : memref<128xi32, #tpu.memory_space<vmem>>) semaphore(%arg15 : memref<!tpu.dma_semaphore, #tpu.memory_space<semaphore_mem>>) {add = true}
    %dma_wait3A_38 = arith.constant 0 : i32
    %dma_wait3A_39 = arith.constant 0 : i32
    %dma_wait3A_40 = tpu.memref_slice %arg8[%dma_wait3A_38, %dma_wait3A_39] : memref<1x128xi32, #tpu.memory_space<vmem>> -> memref<1x128xi32, #tpu.memory_space<vmem>>
    %dma_wait3A_41 = tpu.memref_squeeze %dma_wait3A_40 : memref<1x128xi32, #tpu.memory_space<vmem>> -> memref<128xi32, #tpu.memory_space<vmem>>
    %dma_wait3A_42 = arith.constant 0 : i32
    %dma_wait3A_43 = arith.constant 0 : i32
    %dma_wait3A_44 = tpu.memref_slice %arg2[%dma_wait3A_42, %dma_wait3A_43] : memref<10240x128xf32, #tpu.memory_space<hbm>> -> memref<10240x128xf32, #tpu.memory_space<hbm>>
    tpu.wait_indirect_dma semaphore(%arg14 : memref<!tpu.dma_semaphore, #tpu.memory_space<semaphore_mem>>) src(%dma_wait3A_44 : memref<10240x128xf32, #tpu.memory_space<hbm>>) dst(%arg11 : memref<128x128xf32, #tpu.memory_space<vmem>>)
    %dma_start3A_45 = arith.constant 79 : i32
    %dma_start3A_46 = arith.constant 0 : i32
    %dma_start3A_47 = arith.constant 0 : i32
    %dma_start3A_48 = tpu.memref_slice %arg9[%dma_start3A_45, %dma_start3A_46, %dma_start3A_47] : memref<80x1x128xi32, #tpu.memory_space<vmem>> -> memref<1x1x128xi32, #tpu.memory_space<vmem>>
    %dma_start3A_49 = tpu.memref_squeeze %dma_start3A_48 : memref<1x1x128xi32, #tpu.memory_space<vmem>> -> memref<128xi32, #tpu.memory_space<vmem>>
    %dma_start3A_50 = arith.constant 0 : i32
    %dma_start3A_51 = arith.constant 0 : i32
    %dma_start3A_52 = tpu.memref_slice %arg12[%dma_start3A_50, %dma_start3A_51] : memref<10240x128xf32, #tpu.memory_space<vmem_shared>> -> memref<10240x128xf32, #tpu.memory_space<vmem_shared>>
    tpu.enqueue_indirect_dma source(%arg11 : memref<128x128xf32, #tpu.memory_space<vmem>>) target(%dma_start3A_52 : memref<10240x128xf32, #tpu.memory_space<vmem_shared>>) offsets(%dma_start3A_49 : memref<128xi32, #tpu.memory_space<vmem>>) semaphore(%arg16 : memref<!tpu.dma_semaphore, #tpu.memory_space<semaphore_mem>>) {add = true}
    %dma_wait3A_53 = arith.constant 78 : i32
    %dma_wait3A_54 = arith.constant 0 : i32
    %dma_wait3A_55 = arith.constant 0 : i32
    %dma_wait3A_56 = tpu.memref_slice %arg9[%dma_wait3A_53, %dma_wait3A_54, %dma_wait3A_55] : memref<80x1x128xi32, #tpu.memory_space<vmem>> -> memref<1x1x128xi32, #tpu.memory_space<vmem>>
    %dma_wait3A_57 = tpu.memref_squeeze %dma_wait3A_56 : memref<1x1x128xi32, #tpu.memory_space<vmem>> -> memref<128xi32, #tpu.memory_space<vmem>>
    %dma_wait3A_58 = arith.constant 0 : i32
    %dma_wait3A_59 = arith.constant 0 : i32
    %dma_wait3A_60 = tpu.memref_slice %arg12[%dma_wait3A_58, %dma_wait3A_59] : memref<10240x128xf32, #tpu.memory_space<vmem_shared>> -> memref<10240x128xf32, #tpu.memory_space<vmem_shared>>
    tpu.wait_indirect_dma semaphore(%arg15 : memref<!tpu.dma_semaphore, #tpu.memory_space<semaphore_mem>>) src(%arg10 : memref<128x128xf32, #tpu.memory_space<vmem>>) dst(%dma_wait3A_60 : memref<10240x128xf32, #tpu.memory_space<vmem_shared>>)
    %dma_wait3A_61 = arith.constant 79 : i32
    %dma_wait3A_62 = arith.constant 0 : i32
    %dma_wait3A_63 = arith.constant 0 : i32
    %dma_wait3A_64 = tpu.memref_slice %arg9[%dma_wait3A_61, %dma_wait3A_62, %dma_wait3A_63] : memref<80x1x128xi32, #tpu.memory_space<vmem>> -> memref<1x1x128xi32, #tpu.memory_space<vmem>>
    %dma_wait3A_65 = tpu.memref_squeeze %dma_wait3A_64 : memref<1x1x128xi32, #tpu.memory_space<vmem>> -> memref<128xi32, #tpu.memory_space<vmem>>
    %dma_wait3A_66 = arith.constant 0 : i32
    %dma_wait3A_67 = arith.constant 0 : i32
    %dma_wait3A_68 = tpu.memref_slice %arg12[%dma_wait3A_66, %dma_wait3A_67] : memref<10240x128xf32, #tpu.memory_space<vmem_shared>> -> memref<10240x128xf32, #tpu.memory_space<vmem_shared>>
    tpu.wait_indirect_dma semaphore(%arg16 : memref<!tpu.dma_semaphore, #tpu.memory_space<semaphore_mem>>) src(%arg11 : memref<128x128xf32, #tpu.memory_space<vmem>>) dst(%dma_wait3A_68 : memref<10240x128xf32, #tpu.memory_space<vmem_shared>>)
    %barrier3A_69 = arith.constant 0 : index
    tpu.barrier barrier_id(%barrier3A_69)
    %mul3A_70 = arith.constant 640 : i32
    %mul3A_71 = arith.muli %arg1, %mul3A_70 : i32
    %mul3A_72 = arith.constant 640 : i32
    %mul3A_73 = arith.muli %arg1, %mul3A_72 : i32
    "tpu.region"() ({
      %run_scoped3A = tpu.sem_alloc : memref<!tpu.dma_semaphore, #tpu.memory_space<semaphore_mem>>
      %dma_start3A_74 = arith.constant 0 : i32
      %dma_start3A_75 = tpu.memref_slice %arg6[%arg0, %mul3A_73, %dma_start3A_74] : memref<2x10240x128xf32, #tpu.memory_space<hbm>> -> memref<1x640x128xf32, #tpu.memory_space<hbm>>
      %dma_start3A_76 = tpu.memref_squeeze %dma_start3A_75 : memref<1x640x128xf32, #tpu.memory_space<hbm>> -> memref<640x128xf32, #tpu.memory_space<hbm>>
      %dma_start3A_77 = arith.constant 0 : i32
      %dma_start3A_78 = tpu.memref_slice %arg12[%mul3A_71, %dma_start3A_77] : memref<10240x128xf32, #tpu.memory_space<vmem_shared>> -> memref<640x128xf32, #tpu.memory_space<vmem_shared>>
      tpu.enqueue_dma source(%dma_start3A_78 : memref<640x128xf32, #tpu.memory_space<vmem_shared>>) target(%dma_start3A_76 : memref<640x128xf32, #tpu.memory_space<hbm>>) target_semaphore(%run_scoped3A : memref<!tpu.dma_semaphore, #tpu.memory_space<semaphore_mem>>)
      %dma_wait3A_79 = arith.constant 0 : i32
      %dma_wait3A_80 = tpu.memref_slice %arg6[%arg0, %mul3A_73, %dma_wait3A_79] : memref<2x10240x128xf32, #tpu.memory_space<hbm>> -> memref<1x640x128xf32, #tpu.memory_space<hbm>>
      %dma_wait3A_81 = tpu.memref_squeeze %dma_wait3A_80 : memref<1x640x128xf32, #tpu.memory_space<hbm>> -> memref<640x128xf32, #tpu.memory_space<hbm>>
      %dma_wait3A_82 = arith.constant 0 : i32
      %dma_wait3A_83 = tpu.memref_slice %arg12[%mul3A_71, %dma_wait3A_82] : memref<10240x128xf32, #tpu.memory_space<vmem_shared>> -> memref<640x128xf32, #tpu.memory_space<vmem_shared>>
      tpu.wait_dma2 semaphore(%run_scoped3A : memref<!tpu.dma_semaphore, #tpu.memory_space<semaphore_mem>>) src(%dma_wait3A_83 : memref<640x128xf32, #tpu.memory_space<vmem_shared>>) dst(%dma_wait3A_81 : memref<640x128xf32, #tpu.memory_space<hbm>>)
      tpu.yield
    }) : () -> ()
    return
  }
}

#map = affine_map<(d0, d1) -> (0, 0, 0)>
#map1 = affine_map<(d0, d1) -> (0, 0)>
module attributes {stable_mosaic.version = 14 : i64} {
  func.func @k(%arg0: i32, %arg1: i32, %arg2: memref<2560x1x128xi32, #tpu.memory_space<hbm>>, %arg3: memref<32x10240xf32, #tpu.memory_space<hbm>>, %arg4: memref<80x1x128xi32, #tpu.memory_space<vmem>>, %arg5: memref<10240xf32, #tpu.memory_space<vmem>>) attributes {dimension_semantics = [#tpu.dimension_semantics<core_parallel>, #tpu.dimension_semantics<subcore_parallel>], iteration_bounds = array<i64: 2, 16>, scalar_prefetch = 0 : i64, scratch_operands = 2 : i64, tpu.core_type = #tpu.core_type<sc_vector_subcore>, window_params = [{transform_indices = #map}, {transform_indices = #map1}]} {
    %mul3A = arith.constant 2 : i32
    %mul3A_0 = arith.muli %arg1, %mul3A : i32
    %add3A = arith.addi %mul3A_0, %arg0 : i32
    %mul3A_1 = arith.constant 80 : i32
    %mul3A_2 = arith.muli %add3A, %mul3A_1 : i32
    "tpu.region"() ({
      %run_scoped3A = tpu.sem_alloc : memref<!tpu.dma_semaphore, #tpu.memory_space<semaphore_mem>>
      %dma_start3A = arith.constant 0 : i32
      %dma_start3A_13 = arith.constant 0 : i32
      %dma_start3A_14 = tpu.memref_slice %arg2[%mul3A_2, %dma_start3A, %dma_start3A_13] : memref<2560x1x128xi32, #tpu.memory_space<hbm>> -> memref<80x1x128xi32, #tpu.memory_space<hbm>>
      %dma_start3A_15 = arith.constant 0 : i32
      %dma_start3A_16 = arith.constant 0 : i32
      %dma_start3A_17 = tpu.memref_slice %arg2[%mul3A_2, %dma_start3A_15, %dma_start3A_16] : memref<2560x1x128xi32, #tpu.memory_space<hbm>> -> memref<80x1x128xi32, #tpu.memory_space<hbm>>
      tpu.enqueue_dma source(%dma_start3A_17 : memref<80x1x128xi32, #tpu.memory_space<hbm>>) target(%arg4 : memref<80x1x128xi32, #tpu.memory_space<vmem>>) target_semaphore(%run_scoped3A : memref<!tpu.dma_semaphore, #tpu.memory_space<semaphore_mem>>)
      %dma_wait3A = arith.constant 0 : i32
      %dma_wait3A_18 = arith.constant 0 : i32
      %dma_wait3A_19 = tpu.memref_slice %arg2[%mul3A_2, %dma_wait3A, %dma_wait3A_18] : memref<2560x1x128xi32, #tpu.memory_space<hbm>> -> memref<80x1x128xi32, #tpu.memory_space<hbm>>
      %dma_wait3A_20 = arith.constant 0 : i32
      %dma_wait3A_21 = arith.constant 0 : i32
      %dma_wait3A_22 = tpu.memref_slice %arg2[%mul3A_2, %dma_wait3A_20, %dma_wait3A_21] : memref<2560x1x128xi32, #tpu.memory_space<hbm>> -> memref<80x1x128xi32, #tpu.memory_space<hbm>>
      tpu.wait_dma2 semaphore(%run_scoped3A : memref<!tpu.dma_semaphore, #tpu.memory_space<semaphore_mem>>) src(%dma_wait3A_22 : memref<80x1x128xi32, #tpu.memory_space<hbm>>) dst(%arg4 : memref<80x1x128xi32, #tpu.memory_space<vmem>>)
      tpu.yield
    }) : () -> ()
    %scan3A = arith.constant 0 : i32
    %scan3A_3 = arith.constant 640 : i32
    %scan3A_4 = arith.addi %scan3A, %scan3A_3 : i32
    %scan3A_5 = arith.constant 1 : i32
    scf.for %scan3A_13 = %scan3A to %scan3A_4 step %scan3A_5  : i32 {
      %mul3A_14 = arith.constant 16 : i32
      %mul3A_15 = arith.muli %scan3A_13, %mul3A_14 : i32
      %add3A_16 = arith.constant 0 : i32
      %add3A_17 = arith.addi %add3A_16, %mul3A_15 : i32
      %broadcast_in_dim3A_18 = arith.constant 0.000000e+00 : f32
      %broadcast_in_dim3A_19 = vector.broadcast %broadcast_in_dim3A_18 : f32 to vector<16xf32>
      %swap3A = arith.index_cast %add3A_17 : i32 to index
      %swap3A_20 = tpu.vector_load %arg5[%swap3A] {strides = array<i32>} : memref<10240xf32, #tpu.memory_space<vmem>>, vector<16xf32>,
      tpu.vector_store %arg5[%swap3A], %broadcast_in_dim3A_19 {strides = array<i32>} : memref<10240xf32, #tpu.memory_space<vmem>>, vector<16xf32>,
    }
    %scan3A_6 = arith.constant 640 : i32
    %broadcast_in_dim3A = arith.constant 1.000000e+00 : f32
    %broadcast_in_dim3A_7 = vector.broadcast %broadcast_in_dim3A : f32 to vector<16xf32>
    %scan3A_8 = arith.constant 0 : i32
    %scan3A_9 = arith.constant 80 : i32
    %scan3A_10 = arith.addi %scan3A_8, %scan3A_9 : i32
    %scan3A_11 = arith.constant 1 : i32
    scf.for %scan3A_13 = %scan3A_8 to %scan3A_10 step %scan3A_11  : i32 {
      %mul3A_14 = arith.constant 1 : i32
      %mul3A_15 = arith.muli %scan3A_13, %mul3A_14 : i32
      %add3A_16 = arith.constant 0 : i32
      %add3A_17 = arith.addi %add3A_16, %mul3A_15 : i32
      %get3A = arith.constant 0 : i32
      %get3A_18 = arith.index_cast %add3A_17 : i32 to index
      %get3A_19 = arith.index_cast %get3A : i32 to index
      %get3A_20 = arith.constant 0 : index
      %get3A_21 = tpu.vector_load %arg4[%get3A_18, %get3A_19, %get3A_20] {strides = array<i32>} : memref<80x1x128xi32, #tpu.memory_space<vmem>>, vector<16xi32>,
      tpu.vector_store_idx %arg5[%get3A_21], %broadcast_in_dim3A_7 {add = true} : memref<10240xf32, #tpu.memory_space<vmem>>[vector<16xi32>], vector<16xf32>,
      %get3A_22 = arith.constant 0 : i32
      %get3A_23 = arith.index_cast %add3A_17 : i32 to index
      %get3A_24 = arith.index_cast %get3A_22 : i32 to index
      %get3A_25 = arith.constant 16 : index
      %get3A_26 = tpu.vector_load %arg4[%get3A_23, %get3A_24, %get3A_25] {strides = array<i32>} : memref<80x1x128xi32, #tpu.memory_space<vmem>>, vector<16xi32>,
      tpu.vector_store_idx %arg5[%get3A_26], %broadcast_in_dim3A_7 {add = true} : memref<10240xf32, #tpu.memory_space<vmem>>[vector<16xi32>], vector<16xf32>,
      %get3A_27 = arith.constant 0 : i32
      %get3A_28 = arith.index_cast %add3A_17 : i32 to index
      %get3A_29 = arith.index_cast %get3A_27 : i32 to index
      %get3A_30 = arith.constant 32 : index
      %get3A_31 = tpu.vector_load %arg4[%get3A_28, %get3A_29, %get3A_30] {strides = array<i32>} : memref<80x1x128xi32, #tpu.memory_space<vmem>>, vector<16xi32>,
      tpu.vector_store_idx %arg5[%get3A_31], %broadcast_in_dim3A_7 {add = true} : memref<10240xf32, #tpu.memory_space<vmem>>[vector<16xi32>], vector<16xf32>,
      %get3A_32 = arith.constant 0 : i32
      %get3A_33 = arith.index_cast %add3A_17 : i32 to index
      %get3A_34 = arith.index_cast %get3A_32 : i32 to index
      %get3A_35 = arith.constant 48 : index
      %get3A_36 = tpu.vector_load %arg4[%get3A_33, %get3A_34, %get3A_35] {strides = array<i32>} : memref<80x1x128xi32, #tpu.memory_space<vmem>>, vector<16xi32>,
      tpu.vector_store_idx %arg5[%get3A_36], %broadcast_in_dim3A_7 {add = true} : memref<10240xf32, #tpu.memory_space<vmem>>[vector<16xi32>], vector<16xf32>,
      %get3A_37 = arith.constant 0 : i32
      %get3A_38 = arith.index_cast %add3A_17 : i32 to index
      %get3A_39 = arith.index_cast %get3A_37 : i32 to index
      %get3A_40 = arith.constant 64 : index
      %get3A_41 = tpu.vector_load %arg4[%get3A_38, %get3A_39, %get3A_40] {strides = array<i32>} : memref<80x1x128xi32, #tpu.memory_space<vmem>>, vector<16xi32>,
      tpu.vector_store_idx %arg5[%get3A_41], %broadcast_in_dim3A_7 {add = true} : memref<10240xf32, #tpu.memory_space<vmem>>[vector<16xi32>], vector<16xf32>,
      %get3A_42 = arith.constant 0 : i32
      %get3A_43 = arith.index_cast %add3A_17 : i32 to index
      %get3A_44 = arith.index_cast %get3A_42 : i32 to index
      %get3A_45 = arith.constant 80 : index
      %get3A_46 = tpu.vector_load %arg4[%get3A_43, %get3A_44, %get3A_45] {strides = array<i32>} : memref<80x1x128xi32, #tpu.memory_space<vmem>>, vector<16xi32>,
      tpu.vector_store_idx %arg5[%get3A_46], %broadcast_in_dim3A_7 {add = true} : memref<10240xf32, #tpu.memory_space<vmem>>[vector<16xi32>], vector<16xf32>,
      %get3A_47 = arith.constant 0 : i32
      %get3A_48 = arith.index_cast %add3A_17 : i32 to index
      %get3A_49 = arith.index_cast %get3A_47 : i32 to index
      %get3A_50 = arith.constant 96 : index
      %get3A_51 = tpu.vector_load %arg4[%get3A_48, %get3A_49, %get3A_50] {strides = array<i32>} : memref<80x1x128xi32, #tpu.memory_space<vmem>>, vector<16xi32>,
      tpu.vector_store_idx %arg5[%get3A_51], %broadcast_in_dim3A_7 {add = true} : memref<10240xf32, #tpu.memory_space<vmem>>[vector<16xi32>], vector<16xf32>,
      %get3A_52 = arith.constant 0 : i32
      %get3A_53 = arith.index_cast %add3A_17 : i32 to index
      %get3A_54 = arith.index_cast %get3A_52 : i32 to index
      %get3A_55 = arith.constant 112 : index
      %get3A_56 = tpu.vector_load %arg4[%get3A_53, %get3A_54, %get3A_55] {strides = array<i32>} : memref<80x1x128xi32, #tpu.memory_space<vmem>>, vector<16xi32>,
      tpu.vector_store_idx %arg5[%get3A_56], %broadcast_in_dim3A_7 {add = true} : memref<10240xf32, #tpu.memory_space<vmem>>[vector<16xi32>], vector<16xf32>,
    }
    %scan3A_12 = arith.constant 80 : i32
    "tpu.region"() ({
      %run_scoped3A = tpu.sem_alloc : memref<!tpu.dma_semaphore, #tpu.memory_space<semaphore_mem>>
      %dma_start3A = arith.constant 0 : i32
      %dma_start3A_13 = tpu.memref_slice %arg3[%add3A, %dma_start3A] : memref<32x10240xf32, #tpu.memory_space<hbm>> -> memref<1x10240xf32, #tpu.memory_space<hbm>>
      %dma_start3A_14 = tpu.memref_squeeze %dma_start3A_13 : memref<1x10240xf32, #tpu.memory_space<hbm>> -> memref<10240xf32, #tpu.memory_space<hbm>>
      %dma_start3A_15 = arith.constant 0 : i32
      %dma_start3A_16 = tpu.memref_slice %arg3[%add3A, %dma_start3A_15] : memref<32x10240xf32, #tpu.memory_space<hbm>> -> memref<1x10240xf32, #tpu.memory_space<hbm>>
      %dma_start3A_17 = tpu.memref_squeeze %dma_start3A_16 : memref<1x10240xf32, #tpu.memory_space<hbm>> -> memref<10240xf32, #tpu.memory_space<hbm>>
      tpu.enqueue_dma source(%arg5 : memref<10240xf32, #tpu.memory_space<vmem>>) target(%dma_start3A_17 : memref<10240xf32, #tpu.memory_space<hbm>>) target_semaphore(%run_scoped3A : memref<!tpu.dma_semaphore, #tpu.memory_space<semaphore_mem>>)
      %dma_wait3A = arith.constant 0 : i32
      %dma_wait3A_18 = tpu.memref_slice %arg3[%add3A, %dma_wait3A] : memref<32x10240xf32, #tpu.memory_space<hbm>> -> memref<1x10240xf32, #tpu.memory_space<hbm>>
      %dma_wait3A_19 = tpu.memref_squeeze %dma_wait3A_18 : memref<1x10240xf32, #tpu.memory_space<hbm>> -> memref<10240xf32, #tpu.memory_space<hbm>>
      %dma_wait3A_20 = arith.constant 0 : i32
      %dma_wait3A_21 = tpu.memref_slice %arg3[%add3A, %dma_wait3A_20] : memref<32x10240xf32, #tpu.memory_space<hbm>> -> memref<1x10240xf32, #tpu.memory_space<hbm>>
      %dma_wait3A_22 = tpu.memref_squeeze %dma_wait3A_21 : memref<1x10240xf32, #tpu.memory_space<hbm>> -> memref<10240xf32, #tpu.memory_space<hbm>>
      tpu.wait_dma2 semaphore(%run_scoped3A : memref<!tpu.dma_semaphore, #tpu.memory_space<semaphore_mem>>) src(%arg5 : memref<10240xf32, #tpu.memory_space<vmem>>) dst(%dma_wait3A_22 : memref<10240xf32, #tpu.memory_space<hbm>>)
      tpu.yield
    }) : () -> ()
    return
  }
}

#map = affine_map<(d0, d1) -> (0, 0)>
#map1 = affine_map<(d0, d1) -> (0, 0, 0)>
module attributes {stable_mosaic.version = 14 : i64} {
  func.func @k(%arg0: i32, %arg1: i32, %arg2: memref<10240x128xf32, #tpu.memory_space<hbm>>, %arg3: memref<2560x1x128xi32, #tpu.memory_space<hbm>>, %arg4: memref<2560x1x128xi32, #tpu.memory_space<hbm>>, %arg5: memref<640x128xf32, #tpu.memory_space<hbm>>, %arg6: memref<2x10240x128xf32, #tpu.memory_space<hbm>>, %arg7: memref<1x128xi32, #tpu.memory_space<vmem>>, %arg8: memref<1x128xi32, #tpu.memory_space<vmem>>, %arg9: memref<80x1x128xi32, #tpu.memory_space<vmem>>, %arg10: memref<128x128xf32, #tpu.memory_space<vmem>>, %arg11: memref<128x128xf32, #tpu.memory_space<vmem>>, %arg12: memref<10240x128xf32, #tpu.memory_space<vmem_shared>>, %arg13: memref<!tpu.dma_semaphore, #tpu.memory_space<semaphore_mem>>, %arg14: memref<!tpu.dma_semaphore, #tpu.memory_space<semaphore_mem>>, %arg15: memref<!tpu.dma_semaphore, #tpu.memory_space<semaphore_mem>>, %arg16: memref<!tpu.dma_semaphore, #tpu.memory_space<semaphore_mem>>, %arg17: memref<!tpu.dma_semaphore, #tpu.memory_space<semaphore_mem>>, %arg18: memref<!tpu.dma_semaphore, #tpu.memory_space<semaphore_mem>>) attributes {dimension_semantics = [#tpu.dimension_semantics<core_parallel>, #tpu.dimension_semantics<subcore_parallel>], iteration_bounds = array<i64: 2, 16>, scalar_prefetch = 0 : i64, scratch_operands = 12 : i64, tpu.core_type = #tpu.core_type<sc_vector_subcore>, window_params = [{transform_indices = #map}, {transform_indices = #map1}, {transform_indices = #map1}, {transform_indices = #map}, {transform_indices = #map1}]} {
    %mul3A = arith.constant 2 : i32
    %mul3A_0 = arith.muli %arg1, %mul3A : i32
    %add3A = arith.addi %mul3A_0, %arg0 : i32
    %mul3A_1 = arith.constant 80 : i32
    %mul3A_2 = arith.muli %add3A, %mul3A_1 : i32
    "tpu.region"() ({
      %run_scoped3A = tpu.sem_alloc : memref<!tpu.dma_semaphore, #tpu.memory_space<semaphore_mem>>
      %dma_start3A_74 = arith.constant 0 : i32
      %dma_start3A_75 = arith.constant 0 : i32
      %dma_start3A_76 = tpu.memref_slice %arg3[%mul3A_2, %dma_start3A_74, %dma_start3A_75] : memref<2560x1x128xi32, #tpu.memory_space<hbm>> -> memref<1x1x128xi32, #tpu.memory_space<hbm>>
      %dma_start3A_77 = tpu.memref_squeeze %dma_start3A_76 : memref<1x1x128xi32, #tpu.memory_space<hbm>> -> memref<1x128xi32, #tpu.memory_space<hbm>>
      %dma_start3A_78 = arith.constant 0 : i32
      %dma_start3A_79 = arith.constant 0 : i32
      %dma_start3A_80 = tpu.memref_slice %arg3[%mul3A_2, %dma_start3A_78, %dma_start3A_79] : memref<2560x1x128xi32, #tpu.memory_space<hbm>> -> memref<1x1x128xi32, #tpu.memory_space<hbm>>
      %dma_start3A_81 = tpu.memref_squeeze %dma_start3A_80 : memref<1x1x128xi32, #tpu.memory_space<hbm>> -> memref<1x128xi32, #tpu.memory_space<hbm>>
      tpu.enqueue_dma source(%dma_start3A_81 : memref<1x128xi32, #tpu.memory_space<hbm>>) target(%arg7 : memref<1x128xi32, #tpu.memory_space<vmem>>) target_semaphore(%run_scoped3A : memref<!tpu.dma_semaphore, #tpu.memory_space<semaphore_mem>>)
      %dma_wait3A_82 = arith.constant 0 : i32
      %dma_wait3A_83 = arith.constant 0 : i32
      %dma_wait3A_84 = tpu.memref_slice %arg3[%mul3A_2, %dma_wait3A_82, %dma_wait3A_83] : memref<2560x1x128xi32, #tpu.memory_space<hbm>> -> memref<1x1x128xi32, #tpu.memory_space<hbm>>
      %dma_wait3A_85 = tpu.memref_squeeze %dma_wait3A_84 : memref<1x1x128xi32, #tpu.memory_space<hbm>> -> memref<1x128xi32, #tpu.memory_space<hbm>>
      %dma_wait3A_86 = arith.constant 0 : i32
      %dma_wait3A_87 = arith.constant 0 : i32
      %dma_wait3A_88 = tpu.memref_slice %arg3[%mul3A_2, %dma_wait3A_86, %dma_wait3A_87] : memref<2560x1x128xi32, #tpu.memory_space<hbm>> -> memref<1x1x128xi32, #tpu.memory_space<hbm>>
      %dma_wait3A_89 = tpu.memref_squeeze %dma_wait3A_88 : memref<1x1x128xi32, #tpu.memory_space<hbm>> -> memref<1x128xi32, #tpu.memory_space<hbm>>
      tpu.wait_dma2 semaphore(%run_scoped3A : memref<!tpu.dma_semaphore, #tpu.memory_space<semaphore_mem>>) src(%dma_wait3A_89 : memref<1x128xi32, #tpu.memory_space<hbm>>) dst(%arg7 : memref<1x128xi32, #tpu.memory_space<vmem>>)
      tpu.yield
    }) : () -> ()
    %add3A_3 = arith.constant 1 : i32
    %add3A_4 = arith.addi %mul3A_2, %add3A_3 : i32
    "tpu.region"() ({
      %run_scoped3A = tpu.sem_alloc : memref<!tpu.dma_semaphore, #tpu.memory_space<semaphore_mem>>
      %dma_start3A_74 = arith.constant 0 : i32
      %dma_start3A_75 = arith.constant 0 : i32
      %dma_start3A_76 = tpu.memref_slice %arg3[%add3A_4, %dma_start3A_74, %dma_start3A_75] : memref<2560x1x128xi32, #tpu.memory_space<hbm>> -> memref<1x1x128xi32, #tpu.memory_space<hbm>>
      %dma_start3A_77 = tpu.memref_squeeze %dma_start3A_76 : memref<1x1x128xi32, #tpu.memory_space<hbm>> -> memref<1x128xi32, #tpu.memory_space<hbm>>
      %dma_start3A_78 = arith.constant 0 : i32
      %dma_start3A_79 = arith.constant 0 : i32
      %dma_start3A_80 = tpu.memref_slice %arg3[%add3A_4, %dma_start3A_78, %dma_start3A_79] : memref<2560x1x128xi32, #tpu.memory_space<hbm>> -> memref<1x1x128xi32, #tpu.memory_space<hbm>>
      %dma_start3A_81 = tpu.memref_squeeze %dma_start3A_80 : memref<1x1x128xi32, #tpu.memory_space<hbm>> -> memref<1x128xi32, #tpu.memory_space<hbm>>
      tpu.enqueue_dma source(%dma_start3A_81 : memref<1x128xi32, #tpu.memory_space<hbm>>) target(%arg8 : memref<1x128xi32, #tpu.memory_space<vmem>>) target_semaphore(%run_scoped3A : memref<!tpu.dma_semaphore, #tpu.memory_space<semaphore_mem>>)
      %dma_wait3A_82 = arith.constant 0 : i32
      %dma_wait3A_83 = arith.constant 0 : i32
      %dma_wait3A_84 = tpu.memref_slice %arg3[%add3A_4, %dma_wait3A_82, %dma_wait3A_83] : memref<2560x1x128xi32, #tpu.memory_space<hbm>> -> memref<1x1x128xi32, #tpu.memory_space<hbm>>
      %dma_wait3A_85 = tpu.memref_squeeze %dma_wait3A_84 : memref<1x1x128xi32, #tpu.memory_space<hbm>> -> memref<1x128xi32, #tpu.memory_space<hbm>>
      %dma_wait3A_86 = arith.constant 0 : i32
      %dma_wait3A_87 = arith.constant 0 : i32
      %dma_wait3A_88 = tpu.memref_slice %arg3[%add3A_4, %dma_wait3A_86, %dma_wait3A_87] : memref<2560x1x128xi32, #tpu.memory_space<hbm>> -> memref<1x1x128xi32, #tpu.memory_space<hbm>>
      %dma_wait3A_89 = tpu.memref_squeeze %dma_wait3A_88 : memref<1x1x128xi32, #tpu.memory_space<hbm>> -> memref<1x128xi32, #tpu.memory_space<hbm>>
      tpu.wait_dma2 semaphore(%run_scoped3A : memref<!tpu.dma_semaphore, #tpu.memory_space<semaphore_mem>>) src(%dma_wait3A_89 : memref<1x128xi32, #tpu.memory_space<hbm>>) dst(%arg8 : memref<1x128xi32, #tpu.memory_space<vmem>>)
      tpu.yield
    }) : () -> ()
    %dma_start3A = arith.constant 0 : i32
    %dma_start3A_5 = arith.constant 0 : i32
    %dma_start3A_6 = tpu.memref_slice %arg7[%dma_start3A, %dma_start3A_5] : memref<1x128xi32, #tpu.memory_space<vmem>> -> memref<1x128xi32, #tpu.memory_space<vmem>>
    %dma_start3A_7 = tpu.memref_squeeze %dma_start3A_6 : memref<1x128xi32, #tpu.memory_space<vmem>> -> memref<128xi32, #tpu.memory_space<vmem>>
    %dma_start3A_8 = arith.constant 0 : i32
    %dma_start3A_9 = arith.constant 0 : i32
    %dma_start3A_10 = tpu.memref_slice %arg2[%dma_start3A_8, %dma_start3A_9] : memref<10240x128xf32, #tpu.memory_space<hbm>> -> memref<10240x128xf32, #tpu.memory_space<hbm>>
    tpu.enqueue_indirect_dma source(%dma_start3A_10 : memref<10240x128xf32, #tpu.memory_space<hbm>>) target(%arg10 : memref<128x128xf32, #tpu.memory_space<vmem>>) offsets(%dma_start3A_7 : memref<128xi32, #tpu.memory_space<vmem>>) semaphore(%arg13 : memref<!tpu.dma_semaphore, #tpu.memory_space<semaphore_mem>>)
    %dma_start3A_11 = arith.constant 0 : i32
    %dma_start3A_12 = arith.constant 0 : i32
    %dma_start3A_13 = tpu.memref_slice %arg8[%dma_start3A_11, %dma_start3A_12] : memref<1x128xi32, #tpu.memory_space<vmem>> -> memref<1x128xi32, #tpu.memory_space<vmem>>
    %dma_start3A_14 = tpu.memref_squeeze %dma_start3A_13 : memref<1x128xi32, #tpu.memory_space<vmem>> -> memref<128xi32, #tpu.memory_space<vmem>>
    %dma_start3A_15 = arith.constant 0 : i32
    %dma_start3A_16 = arith.constant 0 : i32
    %dma_start3A_17 = tpu.memref_slice %arg2[%dma_start3A_15, %dma_start3A_16] : memref<10240x128xf32, #tpu.memory_space<hbm>> -> memref<10240x128xf32, #tpu.memory_space<hbm>>
    tpu.enqueue_indirect_dma source(%dma_start3A_17 : memref<10240x128xf32, #tpu.memory_space<hbm>>) target(%arg11 : memref<128x128xf32, #tpu.memory_space<vmem>>) offsets(%dma_start3A_14 : memref<128xi32, #tpu.memory_space<vmem>>) semaphore(%arg14 : memref<!tpu.dma_semaphore, #tpu.memory_space<semaphore_mem>>)
    "tpu.region"() ({
      %run_scoped3A = tpu.sem_alloc : memref<!tpu.dma_semaphore, #tpu.memory_space<semaphore_mem>>
      %dma_start3A_74 = arith.constant 0 : i32
      %dma_start3A_75 = arith.constant 0 : i32
      %dma_start3A_76 = tpu.memref_slice %arg4[%mul3A_2, %dma_start3A_74, %dma_start3A_75] : memref<2560x1x128xi32, #tpu.memory_space<hbm>> -> memref<80x1x128xi32, #tpu.memory_space<hbm>>
      %dma_start3A_77 = arith.constant 0 : i32
      %dma_start3A_78 = arith.constant 0 : i32
      %dma_start3A_79 = tpu.memref_slice %arg4[%mul3A_2, %dma_start3A_77, %dma_start3A_78] : memref<2560x1x128xi32, #tpu.memory_space<hbm>> -> memref<80x1x128xi32, #tpu.memory_space<hbm>>
      tpu.enqueue_dma source(%dma_start3A_79 : memref<80x1x128xi32, #tpu.memory_space<hbm>>) target(%arg9 : memref<80x1x128xi32, #tpu.memory_space<vmem>>) target_semaphore(%run_scoped3A : memref<!tpu.dma_semaphore, #tpu.memory_space<semaphore_mem>>)
      %dma_wait3A_80 = arith.constant 0 : i32
      %dma_wait3A_81 = arith.constant 0 : i32
      %dma_wait3A_82 = tpu.memref_slice %arg4[%mul3A_2, %dma_wait3A_80, %dma_wait3A_81] : memref<2560x1x128xi32, #tpu.memory_space<hbm>> -> memref<80x1x128xi32, #tpu.memory_space<hbm>>
      %dma_wait3A_83 = arith.constant 0 : i32
      %dma_wait3A_84 = arith.constant 0 : i32
      %dma_wait3A_85 = tpu.memref_slice %arg4[%mul3A_2, %dma_wait3A_83, %dma_wait3A_84] : memref<2560x1x128xi32, #tpu.memory_space<hbm>> -> memref<80x1x128xi32, #tpu.memory_space<hbm>>
      tpu.wait_dma2 semaphore(%run_scoped3A : memref<!tpu.dma_semaphore, #tpu.memory_space<semaphore_mem>>) src(%dma_wait3A_85 : memref<80x1x128xi32, #tpu.memory_space<hbm>>) dst(%arg9 : memref<80x1x128xi32, #tpu.memory_space<vmem>>)
      tpu.yield
    }) : () -> ()
    %mul3A_18 = arith.constant 640 : i32
    %mul3A_19 = arith.muli %arg1, %mul3A_18 : i32
    "tpu.region"() ({
      %run_scoped3A = tpu.sem_alloc : memref<!tpu.dma_semaphore, #tpu.memory_space<semaphore_mem>>
      %dma_start3A_74 = arith.constant 0 : i32
      %dma_start3A_75 = tpu.memref_slice %arg12[%mul3A_19, %dma_start3A_74] : memref<10240x128xf32, #tpu.memory_space<vmem_shared>> -> memref<640x128xf32, #tpu.memory_space<vmem_shared>>
      tpu.enqueue_dma source(%arg5 : memref<640x128xf32, #tpu.memory_space<hbm>>) target(%dma_start3A_75 : memref<640x128xf32, #tpu.memory_space<vmem_shared>>) target_semaphore(%run_scoped3A : memref<!tpu.dma_semaphore, #tpu.memory_space<semaphore_mem>>)
      %dma_wait3A_76 = arith.constant 0 : i32
      %dma_wait3A_77 = tpu.memref_slice %arg12[%mul3A_19, %dma_wait3A_76] : memref<10240x128xf32, #tpu.memory_space<vmem_shared>> -> memref<640x128xf32, #tpu.memory_space<vmem_shared>>
      tpu.wait_dma2 semaphore(%run_scoped3A : memref<!tpu.dma_semaphore, #tpu.memory_space<semaphore_mem>>) src(%arg5 : memref<640x128xf32, #tpu.memory_space<hbm>>) dst(%dma_wait3A_77 : memref<640x128xf32, #tpu.memory_space<vmem_shared>>)
      tpu.yield
    }) : () -> ()
    %barrier3A = arith.constant 0 : index
    tpu.barrier barrier_id(%barrier3A)
    %scan3A = arith.constant 0 : i32
    %scan3A_20 = arith.constant 39 : i32
    %scan3A_21 = arith.addi %scan3A, %scan3A_20 : i32
    %scan3A_22 = arith.constant 1 : i32
    scf.for %scan3A_74 = %scan3A to %scan3A_21 step %scan3A_22  : i32 {
      %mul3A_75 = arith.constant 2 : i32
      %mul3A_76 = arith.muli %scan3A_74, %mul3A_75 : i32
      %add3A_77 = arith.constant 0 : i32
      %add3A_78 = arith.addi %add3A_77, %mul3A_76 : i32
      %dma_wait3A_79 = arith.constant 0 : i32
      %dma_wait3A_80 = arith.constant 0 : i32
      %dma_wait3A_81 = tpu.memref_slice %arg7[%dma_wait3A_79, %dma_wait3A_80] : memref<1x128xi32, #tpu.memory_space<vmem>> -> memref<1x128xi32, #tpu.memory_space<vmem>>
      %dma_wait3A_82 = tpu.memref_squeeze %dma_wait3A_81 : memref<1x128xi32, #tpu.memory_space<vmem>> -> memref<128xi32, #tpu.memory_space<vmem>>
      %dma_wait3A_83 = arith.constant 0 : i32
      %dma_wait3A_84 = arith.constant 0 : i32
      %dma_wait3A_85 = tpu.memref_slice %arg2[%dma_wait3A_83, %dma_wait3A_84] : memref<10240x128xf32, #tpu.memory_space<hbm>> -> memref<10240x128xf32, #tpu.memory_space<hbm>>
      tpu.wait_indirect_dma semaphore(%arg13 : memref<!tpu.dma_semaphore, #tpu.memory_space<semaphore_mem>>) src(%dma_wait3A_85 : memref<10240x128xf32, #tpu.memory_space<hbm>>) dst(%arg10 : memref<128x128xf32, #tpu.memory_space<vmem>>)
      %dma_start3A_86 = arith.constant 0 : i32
      %dma_start3A_87 = arith.constant 0 : i32
      %dma_start3A_88 = tpu.memref_slice %arg9[%add3A_78, %dma_start3A_86, %dma_start3A_87] : memref<80x1x128xi32, #tpu.memory_space<vmem>> -> memref<1x1x128xi32, #tpu.memory_space<vmem>>
      %dma_start3A_89 = tpu.memref_squeeze %dma_start3A_88 : memref<1x1x128xi32, #tpu.memory_space<vmem>> -> memref<128xi32, #tpu.memory_space<vmem>>
      %dma_start3A_90 = arith.constant 0 : i32
      %dma_start3A_91 = arith.constant 0 : i32
      %dma_start3A_92 = tpu.memref_slice %arg12[%dma_start3A_90, %dma_start3A_91] : memref<10240x128xf32, #tpu.memory_space<vmem_shared>> -> memref<10240x128xf32, #tpu.memory_space<vmem_shared>>
      tpu.enqueue_indirect_dma source(%arg10 : memref<128x128xf32, #tpu.memory_space<vmem>>) target(%dma_start3A_92 : memref<10240x128xf32, #tpu.memory_space<vmem_shared>>) offsets(%dma_start3A_89 : memref<128xi32, #tpu.memory_space<vmem>>) semaphore(%arg15 : memref<!tpu.dma_semaphore, #tpu.memory_space<semaphore_mem>>) {add = true}
      %add3A_93 = arith.addi %mul3A_2, %add3A_78 : i32
      %add3A_94 = arith.constant 2 : i32
      %add3A_95 = arith.addi %add3A_93, %add3A_94 : i32
      %dma_start3A_96 = arith.constant 0 : i32
      %dma_start3A_97 = arith.constant 0 : i32
      %dma_start3A_98 = tpu.memref_slice %arg3[%add3A_95, %dma_start3A_96, %dma_start3A_97] : memref<2560x1x128xi32, #tpu.memory_space<hbm>> -> memref<1x1x128xi32, #tpu.memory_space<hbm>>
      %dma_start3A_99 = tpu.memref_squeeze %dma_start3A_98 : memref<1x1x128xi32, #tpu.memory_space<hbm>> -> memref<1x128xi32, #tpu.memory_space<hbm>>
      %dma_start3A_100 = arith.constant 0 : i32
      %dma_start3A_101 = arith.constant 0 : i32
      %dma_start3A_102 = tpu.memref_slice %arg3[%add3A_95, %dma_start3A_100, %dma_start3A_101] : memref<2560x1x128xi32, #tpu.memory_space<hbm>> -> memref<1x1x128xi32, #tpu.memory_space<hbm>>
      %dma_start3A_103 = tpu.memref_squeeze %dma_start3A_102 : memref<1x1x128xi32, #tpu.memory_space<hbm>> -> memref<1x128xi32, #tpu.memory_space<hbm>>
      tpu.enqueue_dma source(%dma_start3A_103 : memref<1x128xi32, #tpu.memory_space<hbm>>) target(%arg7 : memref<1x128xi32, #tpu.memory_space<vmem>>) target_semaphore(%arg17 : memref<!tpu.dma_semaphore, #tpu.memory_space<semaphore_mem>>)
      %dma_wait3A_104 = arith.constant 0 : i32
      %dma_wait3A_105 = arith.constant 0 : i32
      %dma_wait3A_106 = tpu.memref_slice %arg8[%dma_wait3A_104, %dma_wait3A_105] : memref<1x128xi32, #tpu.memory_space<vmem>> -> memref<1x128xi32, #tpu.memory_space<vmem>>
      %dma_wait3A_107 = tpu.memref_squeeze %dma_wait3A_106 : memref<1x128xi32, #tpu.memory_space<vmem>> -> memref<128xi32, #tpu.memory_space<vmem>>
      %dma_wait3A_108 = arith.constant 0 : i32
      %dma_wait3A_109 = arith.constant 0 : i32
      %dma_wait3A_110 = tpu.memref_slice %arg2[%dma_wait3A_108, %dma_wait3A_109] : memref<10240x128xf32, #tpu.memory_space<hbm>> -> memref<10240x128xf32, #tpu.memory_space<hbm>>
      tpu.wait_indirect_dma semaphore(%arg14 : memref<!tpu.dma_semaphore, #tpu.memory_space<semaphore_mem>>) src(%dma_wait3A_110 : memref<10240x128xf32, #tpu.memory_space<hbm>>) dst(%arg11 : memref<128x128xf32, #tpu.memory_space<vmem>>)
      %add3A_111 = arith.constant 1 : i32
      %add3A_112 = arith.addi %add3A_78, %add3A_111 : i32
      %dma_start3A_113 = arith.constant 0 : i32
      %dma_start3A_114 = arith.constant 0 : i32
      %dma_start3A_115 = tpu.memref_slice %arg9[%add3A_112, %dma_start3A_113, %dma_start3A_114] : memref<80x1x128xi32, #tpu.memory_space<vmem>> -> memref<1x1x128xi32, #tpu.memory_space<vmem>>
      %dma_start3A_116 = tpu.memref_squeeze %dma_start3A_115 : memref<1x1x128xi32, #tpu.memory_space<vmem>> -> memref<128xi32, #tpu.memory_space<vmem>>
      %dma_start3A_117 = arith.constant 0 : i32
      %dma_start3A_118 = arith.constant 0 : i32
      %dma_start3A_119 = tpu.memref_slice %arg12[%dma_start3A_117, %dma_start3A_118] : memref<10240x128xf32, #tpu.memory_space<vmem_shared>> -> memref<10240x128xf32, #tpu.memory_space<vmem_shared>>
      tpu.enqueue_indirect_dma source(%arg11 : memref<128x128xf32, #tpu.memory_space<vmem>>) target(%dma_start3A_119 : memref<10240x128xf32, #tpu.memory_space<vmem_shared>>) offsets(%dma_start3A_116 : memref<128xi32, #tpu.memory_space<vmem>>) semaphore(%arg16 : memref<!tpu.dma_semaphore, #tpu.memory_space<semaphore_mem>>) {add = true}
      %add3A_120 = arith.addi %mul3A_2, %add3A_78 : i32
      %add3A_121 = arith.constant 3 : i32
      %add3A_122 = arith.addi %add3A_120, %add3A_121 : i32
      %dma_start3A_123 = arith.constant 0 : i32
      %dma_start3A_124 = arith.constant 0 : i32
      %dma_start3A_125 = tpu.memref_slice %arg3[%add3A_122, %dma_start3A_123, %dma_start3A_124] : memref<2560x1x128xi32, #tpu.memory_space<hbm>> -> memref<1x1x128xi32, #tpu.memory_space<hbm>>
      %dma_start3A_126 = tpu.memref_squeeze %dma_start3A_125 : memref<1x1x128xi32, #tpu.memory_space<hbm>> -> memref<1x128xi32, #tpu.memory_space<hbm>>
      %dma_start3A_127 = arith.constant 0 : i32
      %dma_start3A_128 = arith.constant 0 : i32
      %dma_start3A_129 = tpu.memref_slice %arg3[%add3A_122, %dma_start3A_127, %dma_start3A_128] : memref<2560x1x128xi32, #tpu.memory_space<hbm>> -> memref<1x1x128xi32, #tpu.memory_space<hbm>>
      %dma_start3A_130 = tpu.memref_squeeze %dma_start3A_129 : memref<1x1x128xi32, #tpu.memory_space<hbm>> -> memref<1x128xi32, #tpu.memory_space<hbm>>
      tpu.enqueue_dma source(%dma_start3A_130 : memref<1x128xi32, #tpu.memory_space<hbm>>) target(%arg8 : memref<1x128xi32, #tpu.memory_space<vmem>>) target_semaphore(%arg18 : memref<!tpu.dma_semaphore, #tpu.memory_space<semaphore_mem>>)
      %dma_wait3A_131 = arith.constant 0 : i32
      %dma_wait3A_132 = arith.constant 0 : i32
      %dma_wait3A_133 = tpu.memref_slice %arg9[%add3A_78, %dma_wait3A_131, %dma_wait3A_132] : memref<80x1x128xi32, #tpu.memory_space<vmem>> -> memref<1x1x128xi32, #tpu.memory_space<vmem>>
      %dma_wait3A_134 = tpu.memref_squeeze %dma_wait3A_133 : memref<1x1x128xi32, #tpu.memory_space<vmem>> -> memref<128xi32, #tpu.memory_space<vmem>>
      %dma_wait3A_135 = arith.constant 0 : i32
      %dma_wait3A_136 = arith.constant 0 : i32
      %dma_wait3A_137 = tpu.memref_slice %arg12[%dma_wait3A_135, %dma_wait3A_136] : memref<10240x128xf32, #tpu.memory_space<vmem_shared>> -> memref<10240x128xf32, #tpu.memory_space<vmem_shared>>
      tpu.wait_indirect_dma semaphore(%arg15 : memref<!tpu.dma_semaphore, #tpu.memory_space<semaphore_mem>>) src(%arg10 : memref<128x128xf32, #tpu.memory_space<vmem>>) dst(%dma_wait3A_137 : memref<10240x128xf32, #tpu.memory_space<vmem_shared>>)
      %dma_wait3A_138 = arith.constant 0 : i32
      %dma_wait3A_139 = arith.constant 0 : i32
      %dma_wait3A_140 = tpu.memref_slice %arg3[%mul3A_2, %dma_wait3A_138, %dma_wait3A_139] : memref<2560x1x128xi32, #tpu.memory_space<hbm>> -> memref<1x1x128xi32, #tpu.memory_space<hbm>>
      %dma_wait3A_141 = tpu.memref_squeeze %dma_wait3A_140 : memref<1x1x128xi32, #tpu.memory_space<hbm>> -> memref<1x128xi32, #tpu.memory_space<hbm>>
      %dma_wait3A_142 = arith.constant 0 : i32
      %dma_wait3A_143 = arith.constant 0 : i32
      %dma_wait3A_144 = tpu.memref_slice %arg3[%mul3A_2, %dma_wait3A_142, %dma_wait3A_143] : memref<2560x1x128xi32, #tpu.memory_space<hbm>> -> memref<1x1x128xi32, #tpu.memory_space<hbm>>
      %dma_wait3A_145 = tpu.memref_squeeze %dma_wait3A_144 : memref<1x1x128xi32, #tpu.memory_space<hbm>> -> memref<1x128xi32, #tpu.memory_space<hbm>>
      tpu.wait_dma2 semaphore(%arg17 : memref<!tpu.dma_semaphore, #tpu.memory_space<semaphore_mem>>) src(%dma_wait3A_145 : memref<1x128xi32, #tpu.memory_space<hbm>>) dst(%arg7 : memref<1x128xi32, #tpu.memory_space<vmem>>)
      %dma_start3A_146 = arith.constant 0 : i32
      %dma_start3A_147 = arith.constant 0 : i32
      %dma_start3A_148 = tpu.memref_slice %arg7[%dma_start3A_146, %dma_start3A_147] : memref<1x128xi32, #tpu.memory_space<vmem>> -> memref<1x128xi32, #tpu.memory_space<vmem>>
      %dma_start3A_149 = tpu.memref_squeeze %dma_start3A_148 : memref<1x128xi32, #tpu.memory_space<vmem>> -> memref<128xi32, #tpu.memory_space<vmem>>
      %dma_start3A_150 = arith.constant 0 : i32
      %dma_start3A_151 = arith.constant 0 : i32
      %dma_start3A_152 = tpu.memref_slice %arg2[%dma_start3A_150, %dma_start3A_151] : memref<10240x128xf32, #tpu.memory_space<hbm>> -> memref<10240x128xf32, #tpu.memory_space<hbm>>
      tpu.enqueue_indirect_dma source(%dma_start3A_152 : memref<10240x128xf32, #tpu.memory_space<hbm>>) target(%arg10 : memref<128x128xf32, #tpu.memory_space<vmem>>) offsets(%dma_start3A_149 : memref<128xi32, #tpu.memory_space<vmem>>) semaphore(%arg13 : memref<!tpu.dma_semaphore, #tpu.memory_space<semaphore_mem>>)
      %add3A_153 = arith.constant 1 : i32
      %add3A_154 = arith.addi %add3A_78, %add3A_153 : i32
      %dma_wait3A_155 = arith.constant 0 : i32
      %dma_wait3A_156 = arith.constant 0 : i32
      %dma_wait3A_157 = tpu.memref_slice %arg9[%add3A_154, %dma_wait3A_155, %dma_wait3A_156] : memref<80x1x128xi32, #tpu.memory_space<vmem>> -> memref<1x1x128xi32, #tpu.memory_space<vmem>>
      %dma_wait3A_158 = tpu.memref_squeeze %dma_wait3A_157 : memref<1x1x128xi32, #tpu.memory_space<vmem>> -> memref<128xi32, #tpu.memory_space<vmem>>
      %dma_wait3A_159 = arith.constant 0 : i32
      %dma_wait3A_160 = arith.constant 0 : i32
      %dma_wait3A_161 = tpu.memref_slice %arg12[%dma_wait3A_159, %dma_wait3A_160] : memref<10240x128xf32, #tpu.memory_space<vmem_shared>> -> memref<10240x128xf32, #tpu.memory_space<vmem_shared>>
      tpu.wait_indirect_dma semaphore(%arg16 : memref<!tpu.dma_semaphore, #tpu.memory_space<semaphore_mem>>) src(%arg11 : memref<128x128xf32, #tpu.memory_space<vmem>>) dst(%dma_wait3A_161 : memref<10240x128xf32, #tpu.memory_space<vmem_shared>>)
      %dma_wait3A_162 = arith.constant 0 : i32
      %dma_wait3A_163 = arith.constant 0 : i32
      %dma_wait3A_164 = tpu.memref_slice %arg3[%mul3A_2, %dma_wait3A_162, %dma_wait3A_163] : memref<2560x1x128xi32, #tpu.memory_space<hbm>> -> memref<1x1x128xi32, #tpu.memory_space<hbm>>
      %dma_wait3A_165 = tpu.memref_squeeze %dma_wait3A_164 : memref<1x1x128xi32, #tpu.memory_space<hbm>> -> memref<1x128xi32, #tpu.memory_space<hbm>>
      %dma_wait3A_166 = arith.constant 0 : i32
      %dma_wait3A_167 = arith.constant 0 : i32
      %dma_wait3A_168 = tpu.memref_slice %arg3[%mul3A_2, %dma_wait3A_166, %dma_wait3A_167] : memref<2560x1x128xi32, #tpu.memory_space<hbm>> -> memref<1x1x128xi32, #tpu.memory_space<hbm>>
      %dma_wait3A_169 = tpu.memref_squeeze %dma_wait3A_168 : memref<1x1x128xi32, #tpu.memory_space<hbm>> -> memref<1x128xi32, #tpu.memory_space<hbm>>
      tpu.wait_dma2 semaphore(%arg18 : memref<!tpu.dma_semaphore, #tpu.memory_space<semaphore_mem>>) src(%dma_wait3A_169 : memref<1x128xi32, #tpu.memory_space<hbm>>) dst(%arg8 : memref<1x128xi32, #tpu.memory_space<vmem>>)
      %dma_start3A_170 = arith.constant 0 : i32
      %dma_start3A_171 = arith.constant 0 : i32
      %dma_start3A_172 = tpu.memref_slice %arg8[%dma_start3A_170, %dma_start3A_171] : memref<1x128xi32, #tpu.memory_space<vmem>> -> memref<1x128xi32, #tpu.memory_space<vmem>>
      %dma_start3A_173 = tpu.memref_squeeze %dma_start3A_172 : memref<1x128xi32, #tpu.memory_space<vmem>> -> memref<128xi32, #tpu.memory_space<vmem>>
      %dma_start3A_174 = arith.constant 0 : i32
      %dma_start3A_175 = arith.constant 0 : i32
      %dma_start3A_176 = tpu.memref_slice %arg2[%dma_start3A_174, %dma_start3A_175] : memref<10240x128xf32, #tpu.memory_space<hbm>> -> memref<10240x128xf32, #tpu.memory_space<hbm>>
      tpu.enqueue_indirect_dma source(%dma_start3A_176 : memref<10240x128xf32, #tpu.memory_space<hbm>>) target(%arg11 : memref<128x128xf32, #tpu.memory_space<vmem>>) offsets(%dma_start3A_173 : memref<128xi32, #tpu.memory_space<vmem>>) semaphore(%arg14 : memref<!tpu.dma_semaphore, #tpu.memory_space<semaphore_mem>>)
    }
    %scan3A_23 = arith.constant 39 : i32
    %dma_wait3A = arith.constant 0 : i32
    %dma_wait3A_24 = arith.constant 0 : i32
    %dma_wait3A_25 = tpu.memref_slice %arg7[%dma_wait3A, %dma_wait3A_24] : memref<1x128xi32, #tpu.memory_space<vmem>> -> memref<1x128xi32, #tpu.memory_space<vmem>>
    %dma_wait3A_26 = tpu.memref_squeeze %dma_wait3A_25 : memref<1x128xi32, #tpu.memory_space<vmem>> -> memref<128xi32, #tpu.memory_space<vmem>>
    %dma_wait3A_27 = arith.constant 0 : i32
    %dma_wait3A_28 = arith.constant 0 : i32
    %dma_wait3A_29 = tpu.memref_slice %arg2[%dma_wait3A_27, %dma_wait3A_28] : memref<10240x128xf32, #tpu.memory_space<hbm>> -> memref<10240x128xf32, #tpu.memory_space<hbm>>
    tpu.wait_indirect_dma semaphore(%arg13 : memref<!tpu.dma_semaphore, #tpu.memory_space<semaphore_mem>>) src(%dma_wait3A_29 : memref<10240x128xf32, #tpu.memory_space<hbm>>) dst(%arg10 : memref<128x128xf32, #tpu.memory_space<vmem>>)
    %dma_start3A_30 = arith.constant 78 : i32
    %dma_start3A_31 = arith.constant 0 : i32
    %dma_start3A_32 = arith.constant 0 : i32
    %dma_start3A_33 = tpu.memref_slice %arg9[%dma_start3A_30, %dma_start3A_31, %dma_start3A_32] : memref<80x1x128xi32, #tpu.memory_space<vmem>> -> memref<1x1x128xi32, #tpu.memory_space<vmem>>
    %dma_start3A_34 = tpu.memref_squeeze %dma_start3A_33 : memref<1x1x128xi32, #tpu.memory_space<vmem>> -> memref<128xi32, #tpu.memory_space<vmem>>
    %dma_start3A_35 = arith.constant 0 : i32
    %dma_start3A_36 = arith.constant 0 : i32
    %dma_start3A_37 = tpu.memref_slice %arg12[%dma_start3A_35, %dma_start3A_36] : memref<10240x128xf32, #tpu.memory_space<vmem_shared>> -> memref<10240x128xf32, #tpu.memory_space<vmem_shared>>
    tpu.enqueue_indirect_dma source(%arg10 : memref<128x128xf32, #tpu.memory_space<vmem>>) target(%dma_start3A_37 : memref<10240x128xf32, #tpu.memory_space<vmem_shared>>) offsets(%dma_start3A_34 : memref<128xi32, #tpu.memory_space<vmem>>) semaphore(%arg15 : memref<!tpu.dma_semaphore, #tpu.memory_space<semaphore_mem>>) {add = true}
    %dma_wait3A_38 = arith.constant 0 : i32
    %dma_wait3A_39 = arith.constant 0 : i32
    %dma_wait3A_40 = tpu.memref_slice %arg8[%dma_wait3A_38, %dma_wait3A_39] : memref<1x128xi32, #tpu.memory_space<vmem>> -> memref<1x128xi32, #tpu.memory_space<vmem>>
    %dma_wait3A_41 = tpu.memref_squeeze %dma_wait3A_40 : memref<1x128xi32, #tpu.memory_space<vmem>> -> memref<128xi32, #tpu.memory_space<vmem>>
    %dma_wait3A_42 = arith.constant 0 : i32
    %dma_wait3A_43 = arith.constant 0 : i32
    %dma_wait3A_44 = tpu.memref_slice %arg2[%dma_wait3A_42, %dma_wait3A_43] : memref<10240x128xf32, #tpu.memory_space<hbm>> -> memref<10240x128xf32, #tpu.memory_space<hbm>>
    tpu.wait_indirect_dma semaphore(%arg14 : memref<!tpu.dma_semaphore, #tpu.memory_space<semaphore_mem>>) src(%dma_wait3A_44 : memref<10240x128xf32, #tpu.memory_space<hbm>>) dst(%arg11 : memref<128x128xf32, #tpu.memory_space<vmem>>)
    %dma_start3A_45 = arith.constant 79 : i32
    %dma_start3A_46 = arith.constant 0 : i32
    %dma_start3A_47 = arith.constant 0 : i32
    %dma_start3A_48 = tpu.memref_slice %arg9[%dma_start3A_45, %dma_start3A_46, %dma_start3A_47] : memref<80x1x128xi32, #tpu.memory_space<vmem>> -> memref<1x1x128xi32, #tpu.memory_space<vmem>>
    %dma_start3A_49 = tpu.memref_squeeze %dma_start3A_48 : memref<1x1x128xi32, #tpu.memory_space<vmem>> -> memref<128xi32, #tpu.memory_space<vmem>>
    %dma_start3A_50 = arith.constant 0 : i32
    %dma_start3A_51 = arith.constant 0 : i32
    %dma_start3A_52 = tpu.memref_slice %arg12[%dma_start3A_50, %dma_start3A_51] : memref<10240x128xf32, #tpu.memory_space<vmem_shared>> -> memref<10240x128xf32, #tpu.memory_space<vmem_shared>>
    tpu.enqueue_indirect_dma source(%arg11 : memref<128x128xf32, #tpu.memory_space<vmem>>) target(%dma_start3A_52 : memref<10240x128xf32, #tpu.memory_space<vmem_shared>>) offsets(%dma_start3A_49 : memref<128xi32, #tpu.memory_space<vmem>>) semaphore(%arg16 : memref<!tpu.dma_semaphore, #tpu.memory_space<semaphore_mem>>) {add = true}
    %dma_wait3A_53 = arith.constant 78 : i32
    %dma_wait3A_54 = arith.constant 0 : i32
    %dma_wait3A_55 = arith.constant 0 : i32
    %dma_wait3A_56 = tpu.memref_slice %arg9[%dma_wait3A_53, %dma_wait3A_54, %dma_wait3A_55] : memref<80x1x128xi32, #tpu.memory_space<vmem>> -> memref<1x1x128xi32, #tpu.memory_space<vmem>>
    %dma_wait3A_57 = tpu.memref_squeeze %dma_wait3A_56 : memref<1x1x128xi32, #tpu.memory_space<vmem>> -> memref<128xi32, #tpu.memory_space<vmem>>
    %dma_wait3A_58 = arith.constant 0 : i32
    %dma_wait3A_59 = arith.constant 0 : i32
    %dma_wait3A_60 = tpu.memref_slice %arg12[%dma_wait3A_58, %dma_wait3A_59] : memref<10240x128xf32, #tpu.memory_space<vmem_shared>> -> memref<10240x128xf32, #tpu.memory_space<vmem_shared>>
    tpu.wait_indirect_dma semaphore(%arg15 : memref<!tpu.dma_semaphore, #tpu.memory_space<semaphore_mem>>) src(%arg10 : memref<128x128xf32, #tpu.memory_space<vmem>>) dst(%dma_wait3A_60 : memref<10240x128xf32, #tpu.memory_space<vmem_shared>>)
    %dma_wait3A_61 = arith.constant 79 : i32
    %dma_wait3A_62 = arith.constant 0 : i32
    %dma_wait3A_63 = arith.constant 0 : i32
    %dma_wait3A_64 = tpu.memref_slice %arg9[%dma_wait3A_61, %dma_wait3A_62, %dma_wait3A_63] : memref<80x1x128xi32, #tpu.memory_space<vmem>> -> memref<1x1x128xi32, #tpu.memory_space<vmem>>
    %dma_wait3A_65 = tpu.memref_squeeze %dma_wait3A_64 : memref<1x1x128xi32, #tpu.memory_space<vmem>> -> memref<128xi32, #tpu.memory_space<vmem>>
    %dma_wait3A_66 = arith.constant 0 : i32
    %dma_wait3A_67 = arith.constant 0 : i32
    %dma_wait3A_68 = tpu.memref_slice %arg12[%dma_wait3A_66, %dma_wait3A_67] : memref<10240x128xf32, #tpu.memory_space<vmem_shared>> -> memref<10240x128xf32, #tpu.memory_space<vmem_shared>>
    tpu.wait_indirect_dma semaphore(%arg16 : memref<!tpu.dma_semaphore, #tpu.memory_space<semaphore_mem>>) src(%arg11 : memref<128x128xf32, #tpu.memory_space<vmem>>) dst(%dma_wait3A_68 : memref<10240x128xf32, #tpu.memory_space<vmem_shared>>)
    %barrier3A_69 = arith.constant 0 : index
    tpu.barrier barrier_id(%barrier3A_69)
    %mul3A_70 = arith.constant 640 : i32
    %mul3A_71 = arith.muli %arg1, %mul3A_70 : i32
    %mul3A_72 = arith.constant 640 : i32
    %mul3A_73 = arith.muli %arg1, %mul3A_72 : i32
    "tpu.region"() ({
      %run_scoped3A = tpu.sem_alloc : memref<!tpu.dma_semaphore, #tpu.memory_space<semaphore_mem>>
      %dma_start3A_74 = arith.constant 0 : i32
      %dma_start3A_75 = tpu.memref_slice %arg6[%arg0, %mul3A_73, %dma_start3A_74] : memref<2x10240x128xf32, #tpu.memory_space<hbm>> -> memref<1x640x128xf32, #tpu.memory_space<hbm>>
      %dma_start3A_76 = tpu.memref_squeeze %dma_start3A_75 : memref<1x640x128xf32, #tpu.memory_space<hbm>> -> memref<640x128xf32, #tpu.memory_space<hbm>>
      %dma_start3A_77 = arith.constant 0 : i32
      %dma_start3A_78 = tpu.memref_slice %arg12[%mul3A_71, %dma_start3A_77] : memref<10240x128xf32, #tpu.memory_space<vmem_shared>> -> memref<640x128xf32, #tpu.memory_space<vmem_shared>>
      tpu.enqueue_dma source(%dma_start3A_78 : memref<640x128xf32, #tpu.memory_space<vmem_shared>>) target(%dma_start3A_76 : memref<640x128xf32, #tpu.memory_space<hbm>>) target_semaphore(%run_scoped3A : memref<!tpu.dma_semaphore, #tpu.memory_space<semaphore_mem>>)
      %dma_wait3A_79 = arith.constant 0 : i32
      %dma_wait3A_80 = tpu.memref_slice %arg6[%arg0, %mul3A_73, %dma_wait3A_79] : memref<2x10240x128xf32, #tpu.memory_space<hbm>> -> memref<1x640x128xf32, #tpu.memory_space<hbm>>
      %dma_wait3A_81 = tpu.memref_squeeze %dma_wait3A_80 : memref<1x640x128xf32, #tpu.memory_space<hbm>> -> memref<640x128xf32, #tpu.memory_space<hbm>>
      %dma_wait3A_82 = arith.constant 0 : i32
      %dma_wait3A_83 = tpu.memref_slice %arg12[%mul3A_71, %dma_wait3A_82] : memref<10240x128xf32, #tpu.memory_space<vmem_shared>> -> memref<640x128xf32, #tpu.memory_space<vmem_shared>>
      tpu.wait_dma2 semaphore(%run_scoped3A : memref<!tpu.dma_semaphore, #tpu.memory_space<semaphore_mem>>) src(%dma_wait3A_83 : memref<640x128xf32, #tpu.memory_space<vmem_shared>>) dst(%dma_wait3A_81 : memref<640x128xf32, #tpu.memory_space<hbm>>)
      tpu.yield
    }) : () -> ()
    return
  }
}

module attributes {stable_mosaic.version = 14 : i64} {
  func.func @body(%arg0: i32, %arg1: memref<32x1024xf32, #tpu.memory_space<vmem>>, %arg2: memref<1024x128xf32, #tpu.memory_space<vmem>>, %arg3: memref<1024x128xf32, #tpu.memory_space<vmem>>, %arg4: memref<1024x16xf32, #tpu.memory_space<vmem>>) attributes {dimension_semantics = [#tpu.dimension_semantics<arbitrary>], iteration_bounds = array<i64: 10>, scalar_prefetch = 0 : i64, scratch_operands = 0 : i64, tpu.core_type = #tpu.core_type<tc>, window_params = [{transform_indices = @transform_0, window_bounds = array<i64: 32, 1024>}, {transform_indices = @transform_1, window_bounds = array<i64: 1024, 128>}, {transform_indices = @transform_2, window_bounds = array<i64: 1024, 128>}, {transform_indices = @transform_3, window_bounds = array<i64: 1024, 16>}]} {
    %get3A = arith.constant 0 : index
    %get3A_0 = arith.constant 0 : index
    %get3A_1 = vector.load %arg1[%get3A, %get3A_0] : memref<32x1024xf32, #tpu.memory_space<vmem>>, vector<32x1024xf32>
    %reduce_sum3A = arith.constant dense<0.000000e+00> : vector<1024xf32>
    %reduce_sum3A_2 = vector.multi_reduction <add>, %get3A_1, %reduce_sum3A [0] : vector<32x1024xf32> to vector<1024xf32>
    %broadcast_in_dim3A = vector.shape_cast %reduce_sum3A_2 : vector<1024xf32> to vector<1024x1xf32>
    %max3A = arith.constant 1.000000e+00 : f32
    %max3A_3 = vector.broadcast %max3A : f32 to vector<1024x1xf32>
    %max3A_4 = arith.maximumf %broadcast_in_dim3A, %max3A_3 : vector<1024x1xf32>
    %rsqrt3A = math.rsqrt %max3A_4 : vector<1024x1xf32>
    %broadcast_in_dim3A_5 = vector.shape_cast %rsqrt3A : vector<1024x1xf32> to vector<1024x1xf32>
    %broadcast_in_dim3A_6 = vector.broadcast %broadcast_in_dim3A_5 : vector<1024x1xf32> to vector<1024x16xf32>
    %swap3A = arith.constant 0 : index
    %swap3A_7 = arith.constant 0 : index
    %swap3A_8 = vector.load %arg4[%swap3A, %swap3A_7] : memref<1024x16xf32, #tpu.memory_space<vmem>>, vector<1024x16xf32>
    tpu.vector_store %arg4[%swap3A, %swap3A_7], %broadcast_in_dim3A_6 {strides = array<i32>} : memref<1024x16xf32, #tpu.memory_space<vmem>>, vector<1024x16xf32>,
    %get3A_9 = arith.constant 0 : index
    %get3A_10 = arith.constant 0 : index
    %get3A_11 = vector.load %arg2[%get3A_9, %get3A_10] : memref<1024x128xf32, #tpu.memory_space<vmem>>, vector<1024x128xf32>
    %mul3A = vector.broadcast %rsqrt3A : vector<1024x1xf32> to vector<1024x128xf32>
    %mul3A_12 = arith.mulf %get3A_11, %mul3A : vector<1024x128xf32>
    %swap3A_13 = arith.constant 0 : index
    %swap3A_14 = arith.constant 0 : index
    %swap3A_15 = vector.load %arg3[%swap3A_13, %swap3A_14] : memref<1024x128xf32, #tpu.memory_space<vmem>>, vector<1024x128xf32>
    tpu.vector_store %arg3[%swap3A_13, %swap3A_14], %mul3A_12 {strides = array<i32>} : memref<1024x128xf32, #tpu.memory_space<vmem>>, vector<1024x128xf32>,
    return
  }
  func.func @transform_0(%arg0: i32) -> (i32, i32) {
    %c0_i32 = arith.constant 0 : i32
    %c0_i32_0 = arith.constant 0 : i32
    return %c0_i32, %arg0 : i32, i32
  }
  func.func @transform_1(%arg0: i32) -> (i32, i32) {
    %c0_i32 = arith.constant 0 : i32
    %c0_i32_0 = arith.constant 0 : i32
    return %arg0, %c0_i32 : i32, i32
  }
  func.func @transform_2(%arg0: i32) -> (i32, i32) {
    %c0_i32 = arith.constant 0 : i32
    %c0_i32_0 = arith.constant 0 : i32
    return %arg0, %c0_i32 : i32, i32
  }
  func.func @transform_3(%arg0: i32) -> (i32, i32) {
    %c0_i32 = arith.constant 0 : i32
    %c0_i32_0 = arith.constant 0 : i32
    return %arg0, %c0_i32 : i32, i32
  }
}

module attributes {stable_mosaic.version = 14 : i64} {
  func.func @body(%arg0: i32, %arg1: memref<2x1024x128xf32, #tpu.memory_space<vmem>>, %arg2: memref<1024x16xf32, #tpu.memory_space<vmem>>, %arg3: memref<1024x128xf32, #tpu.memory_space<vmem>>) attributes {dimension_semantics = [#tpu.dimension_semantics<arbitrary>], iteration_bounds = array<i64: 10>, scalar_prefetch = 0 : i64, scratch_operands = 0 : i64, tpu.core_type = #tpu.core_type<tc>, window_params = [{transform_indices = @transform_0, window_bounds = array<i64: 2, 1024, 128>}, {transform_indices = @transform_1, window_bounds = array<i64: 1024, 16>}, {transform_indices = @transform_2, window_bounds = array<i64: 1024, 128>}]} {
    %get3A = arith.constant 0 : index
    %get3A_0 = arith.constant 0 : index
    %get3A_1 = vector.load %arg2[%get3A, %get3A_0] : memref<1024x16xf32, #tpu.memory_space<vmem>>, vector<1024x1xf32>
    %get3A_2 = arith.constant 0 : index
    %get3A_3 = arith.constant 0 : index
    %get3A_4 = arith.constant 0 : index
    %get3A_5 = vector.load %arg1[%get3A_2, %get3A_3, %get3A_4] : memref<2x1024x128xf32, #tpu.memory_space<vmem>>, vector<1x1024x128xf32>
    %get3A_6 = vector.shape_cast %get3A_5 : vector<1x1024x128xf32> to vector<1024x128xf32>
    %get3A_7 = arith.constant 1 : index
    %get3A_8 = arith.constant 0 : index
    %get3A_9 = arith.constant 0 : index
    %get3A_10 = vector.load %arg1[%get3A_7, %get3A_8, %get3A_9] : memref<2x1024x128xf32, #tpu.memory_space<vmem>>, vector<1x1024x128xf32>
    %get3A_11 = vector.shape_cast %get3A_10 : vector<1x1024x128xf32> to vector<1024x128xf32>
    %add3A = arith.addf %get3A_6, %get3A_11 : vector<1024x128xf32>
    %mul3A = arith.mulf %get3A_1, %get3A_1 : vector<1024x1xf32>
    %mul3A_12 = vector.broadcast %mul3A : vector<1024x1xf32> to vector<1024x128xf32>
    %mul3A_13 = arith.mulf %add3A, %mul3A_12 : vector<1024x128xf32>
    %swap3A = arith.constant 0 : index
    %swap3A_14 = arith.constant 0 : index
    %swap3A_15 = vector.load %arg3[%swap3A, %swap3A_14] : memref<1024x128xf32, #tpu.memory_space<vmem>>, vector<1024x128xf32>
    tpu.vector_store %arg3[%swap3A, %swap3A_14], %mul3A_13 {strides = array<i32>} : memref<1024x128xf32, #tpu.memory_space<vmem>>, vector<1024x128xf32>,
    return
  }
  func.func @transform_0(%arg0: i32) -> (i32, i32, i32) {
    %c0_i32 = arith.constant 0 : i32
    %c0_i32_0 = arith.constant 0 : i32
    %c0_i32_1 = arith.constant 0 : i32
    return %c0_i32, %arg0, %c0_i32_0 : i32, i32, i32
  }
  func.func @transform_1(%arg0: i32) -> (i32, i32) {
    %c0_i32 = arith.constant 0 : i32
    %c0_i32_0 = arith.constant 0 : i32
    return %arg0, %c0_i32 : i32, i32
  }
  func.func @transform_2(%arg0: i32) -> (i32, i32) {
    %c0_i32 = arith.constant 0 : i32
    %c0_i32_0 = arith.constant 0 : i32
    return %arg0, %c0_i32 : i32, i32
  }
}

module attributes {stable_mosaic.version = 14 : i64} {
  func.func @body(%arg0: i32, %arg1: memref<2x1000x128xf32, #tpu.memory_space<vmem>>, %arg2: memref<1000x16xf32, #tpu.memory_space<vmem>>, %arg3: memref<128x128xf32, #tpu.memory_space<vmem>>, %arg4: memref<1x128xf32, #tpu.memory_space<vmem>>, %arg5: memref<1000x128xf32, #tpu.memory_space<vmem>>) attributes {dimension_semantics = [#tpu.dimension_semantics<arbitrary>], iteration_bounds = array<i64: 10>, scalar_prefetch = 0 : i64, scratch_operands = 0 : i64, tpu.core_type = #tpu.core_type<tc>, window_params = [{transform_indices = @transform_0, window_bounds = array<i64: 2, 1000, 128>}, {transform_indices = @transform_1, window_bounds = array<i64: 1000, 16>}, {pipeline_mode = #tpu.pipeline_mode<synchronous>, transform_indices = @transform_2, window_bounds = array<i64: 128, 128>}, {pipeline_mode = #tpu.pipeline_mode<synchronous>, transform_indices = @transform_3, window_bounds = array<i64: 1, 128>}, {transform_indices = @transform_4, window_bounds = array<i64: 1000, 128>}]} {
    %get3A = arith.constant 0 : index
    %get3A_0 = arith.constant 0 : index
    %get3A_1 = arith.constant 0 : index
    %get3A_2 = vector.load %arg1[%get3A, %get3A_0, %get3A_1] : memref<2x1000x128xf32, #tpu.memory_space<vmem>>, vector<1x1000x128xf32>
    %get3A_3 = vector.shape_cast %get3A_2 : vector<1x1000x128xf32> to vector<1000x128xf32>
    %get3A_4 = arith.constant 1 : index
    %get3A_5 = arith.constant 0 : index
    %get3A_6 = arith.constant 0 : index
    %get3A_7 = vector.load %arg1[%get3A_4, %get3A_5, %get3A_6] : memref<2x1000x128xf32, #tpu.memory_space<vmem>>, vector<1x1000x128xf32>
    %get3A_8 = vector.shape_cast %get3A_7 : vector<1x1000x128xf32> to vector<1000x128xf32>
    %add3A = arith.addf %get3A_3, %get3A_8 : vector<1000x128xf32>
    %get3A_9 = arith.constant 0 : index
    %get3A_10 = arith.constant 0 : index
    %get3A_11 = vector.load %arg2[%get3A_9, %get3A_10] : memref<1000x16xf32, #tpu.memory_space<vmem>>, vector<1000x1xf32>
    %mul3A = vector.broadcast %get3A_11 : vector<1000x1xf32> to vector<1000x128xf32>
    %mul3A_12 = arith.mulf %add3A, %mul3A : vector<1000x128xf32>
    %get3A_13 = arith.constant 0 : index
    %get3A_14 = arith.constant 0 : index
    %get3A_15 = vector.load %arg3[%get3A_13, %get3A_14] : memref<128x128xf32, #tpu.memory_space<vmem>>, vector<128x128xf32>
    %dot_general3A = arith.constant dense<0.000000e+00> : vector<1000x128xf32>
    %dot_general3A_16 = tpu.matmul %mul3A_12, %get3A_15, %dot_general3A {dimension_numbers = #tpu.dot_dimension_numbers<[1], [0], [0], [1], [0, 0, 1, 1], [], []>, transpose_lhs_hint = false} : vector<1000x128xf32>, vector<128x128xf32>, vector<1000x128xf32> -> vector<1000x128xf32>
    %get3A_17 = arith.constant 0 : index
    %get3A_18 = arith.constant 0 : index
    %get3A_19 = vector.load %arg4[%get3A_17, %get3A_18] : memref<1x128xf32, #tpu.memory_space<vmem>>, vector<1x128xf32>
    %add3A_20 = vector.broadcast %get3A_19 : vector<1x128xf32> to vector<1000x128xf32>
    %add3A_21 = arith.addf %dot_general3A_16, %add3A_20 : vector<1000x128xf32>
    %swap3A = arith.constant 0 : index
    %swap3A_22 = arith.constant 0 : index
    %swap3A_23 = vector.load %arg5[%swap3A, %swap3A_22] : memref<1000x128xf32, #tpu.memory_space<vmem>>, vector<1000x128xf32>
    tpu.vector_store %arg5[%swap3A, %swap3A_22], %add3A_21 {strides = array<i32>} : memref<1000x128xf32, #tpu.memory_space<vmem>>, vector<1000x128xf32>,
    return
  }
  func.func @transform_0(%arg0: i32) -> (i32, i32, i32) {
    %c0_i32 = arith.constant 0 : i32
    %c0_i32_0 = arith.constant 0 : i32
    %c0_i32_1 = arith.constant 0 : i32
    return %c0_i32, %arg0, %c0_i32_0 : i32, i32, i32
  }
  func.func @transform_1(%arg0: i32) -> (i32, i32) {
    %c0_i32 = arith.constant 0 : i32
    %c0_i32_0 = arith.constant 0 : i32
    return %arg0, %c0_i32 : i32, i32
  }
  func.func @transform_2(%arg0: i32) -> (i32, i32) {
    %c0_i32 = arith.constant 0 : i32
    %c0_i32_0 = arith.constant 0 : i32
    %c0_i32_1 = arith.constant 0 : i32
    return %c0_i32, %c0_i32_0 : i32, i32
  }
  func.func @transform_3(%arg0: i32) -> (i32, i32) {
    %c0_i32 = arith.constant 0 : i32
    %c0_i32_0 = arith.constant 0 : i32
    %c0_i32_1 = arith.constant 0 : i32
    return %c0_i32, %c0_i32_0 : i32, i32
  }
  func.func @transform_4(%arg0: i32) -> (i32, i32) {
    %c0_i32 = arith.constant 0 : i32
    %c0_i32_0 = arith.constant 0 : i32
    return %arg0, %c0_i32 : i32, i32
  }
}

</mosaic_0001>

<sc_bundles>
// kernel: kernel.10.cloned.1.call-start
scs
__scs_entry_jumppad:
0x0: {  	(pc) =	sbr.rel $0x88, $3  }
0x1: {  	(tag) =	ssettag $0x0;
	lr =	simm.s32 $0x1  }
0x2: {  	[smem:$0x3F9D] =	sst lr;
	_ =	strace $0xD0000000  }
0x3: {  	_ = 	snop  }
0x4: {  	_ = 	snop  }
0x5: {  	_ = 	snop  }
0x6: {  	_ = 	snop  }
0x7: {  	_ = 	snop  }
__scs_overlays_trampoline_lowered:
0x8: {  	[smem:$0x3FAC] =	sst s0  }
0x9: {  	[smem:$0x3FAD] =	sst s1  }
0xa: {  	[smem:$0x3FAE] =	sst s2  }
0xb: {  	[smem:$0x3FAF] =	sst s3  }
0xc: {  	[smem:$0x3FB0] =	sst s4  }
0xd: {  	[smem:$0x3FB1] =	sst s5  }
0xe: {  	[smem:$0x3FB2] =	sst s6  }
0xf: {  	[smem:$0x3FB3] =	sst s7  }
0x10: {  	[smem:$0x3FB4] =	sst s8  }
0x11: {  	[smem:$0x3FB5] =	sst s9;
	s0 =	simm.s32 @!p0 $0x0  }
0x12: {  	s1 =	sld [smem:$0x3F9B];
	s0 =	simm.s32 @p0 $0x1  }
0x13: {  	[smem:$0x3FB6] =	sst s0;
	s0 =	simm.s32 @!p1 $0x0  }
0x14: {  	s2 =	sld [smem:$0x3F9A];
	s0 =	simm.s32 @p1 $0x1  }
0x15: {  	[smem:$0x3FB7] =	sst s0;
	s0 =	simm.s32 @!p2 $0x0  }
0x16: {  	s3 =	sld [smem:$0x3FDB];
	s0 =	simm.s32 @p2 $0x1  }
0x17: {  	s4 =	simm.s32 $0x1BF5;
	[smem:$0x3FB9] =	sst s0  }
0x18: {  	s0 =	sld [smem:$0x3F9C];
	_ =	swait.ge [sflag:s4], $0x0  }
0x19: {  	s7 =	sld [smem:$0x3F9D]  }
0x1a: {  	s8 =	sadd.s32 $0xFFFFE003, lr  }
0x1b: {  	s9 =	sadd.s32 $0xFFFFFEF7, lr;
	s5 =	simm.s32 $0xFFFFFFFF;
	p2 =	slt.u32 s8, $0xFFFFF086  }
0x1c: {  	p1 =	slt.u32 s9, $0xF7A;
	s5 =	simm.s32 @!p2 $0x0  }
0x1d: {  	s5 =	simm.s32 @p1 $0x1;
	p0 =	seq.s32 s7, s2  }
0x1e: {  	s7 =	smul.u32 @!p0 $0xF7A, s2;
	p2 =	seq.s32 @!p0 s5, $0x0  }
0x1f: {  	s9 =	smul.u32 $0xF7A, s1;
	s8 =	simm.s32 @!p0 $0x1BF5;
	p2 =	por !p2, p0  }
0x20: {  	[sflag:s8] =	ssyncset.s32 @!p0 $0xFFFFF086;
	s6 =	sadd.s32 @!p0 s3, s7;
	s7 =	simm.s32 @!p0 $0x108  }
0x21: {  	s3 =	sadd.s32 s3, s9;
	s6 =	sadd.s32 @!p0 $0x88, s6;
	s7 =	simm.s32 @p2 $0x1082  }
0x22: {  	[simem:s7], [sflag:s8] =	dma.local @!p0 [hbm:s6], $0xF7A  }
0x23: {  	s9 =	sor.u32 $0xD0000000, s2;
	s6 =	simm.s32 $0x108;
	_ =	swait.ge @!p0 [sflag:s8], $0x0  }
0x24: {  	s3 =	sadd.s32 $0x88, s3;
	s6 =	simm.s32 @!p1 $0x1082;
	[sflag:s4] =	ssyncset.s32 $0xFFFFF086  }
0x25: {  	[simem:s6], [sflag:s4] =	dma.local [hbm:s3], $0xF7A  }
0x26: {  	[smem:$0x3F9D] =	sst s1;
	(tag) =	ssettag s2;
	_ =	strace s9  }
0x27: {  	s1 =	sld [smem:$0x3FAD]  }
0x28: {  	s2 =	sld [smem:$0x3FAE]  }
0x29: {  	s4 =	sld [smem:$0x3FB0]  }
0x2a: {  	p0 =	seq.s32 s5, $0x0;
	s5 =	sld [smem:$0x3FB1]  }
0x2b: {  	s6 =	sld [smem:$0x3FB2]  }
0x2c: {  	s7 =	sld [smem:$0x3FB3]  }
0x2d: {  	s3 =	simm.s32 $0x108;
	s8 =	sld [smem:$0x3FB4]  }
0x2e: {  	s3 =	simm.s32 @!p0 $0x1082;
	s9 =	sld [smem:$0x3FB5]  }
0x2f: {  	lr =	sadd.s32 s0, s3;
	s0 =	sld [smem:$0x3FAC]  }
0x30: {  	s3 =	sld [smem:$0x3FAF]  }
0x31: {  	[smem:$0x3FB8] =	sst s10  }
0x32: {  	s10 =	sld [smem:$0x3FB6];
	_ =	sdelay $0x3  }
0x33: {  	p0 =	seq.s32 s10, $0x1;
	s10 =	sld [smem:$0x3FB8];
	_ =	sdelay $0x3  }
0x34: {  	[smem:$0x3FB8] =	sst s10  }
0x35: {  	s10 =	sld [smem:$0x3FB7];
	_ =	sdelay $0x3  }
0x36: {  	p1 =	seq.s32 s10, $0x1;
	s10 =	sld [smem:$0x3FB8];
	_ =	sdelay $0x3  }
0x37: {  	[smem:$0x3FB8] =	sst s10  }
0x38: {  	s10 =	sld [smem:$0x3FB9]  }
0x39: {  	_ = 	snop;
	(pc) =	sbr.ind lr, $3  }
0x3a: {  	_ = 	snop  }
0x3b: {  	_ = 	snop  }
0x3c: {  	p2 =	seq.s32 s10, $0x1;
	s10 =	sld [smem:$0x3FB8]  }
0x3d: {  	_ =	shalt  }
0x3e: {  	_ =	shalt  }
0x3f: {  	_ =	shalt  }
0x40: {  	_ =	shalt  }
0x41: {  	_ =	shalt  }
0x42: {  	_ =	shalt  }
0x43: {  	_ =	shalt  }
0x44: {  	_ =	shalt  }
0x45: {  	_ =	shalt  }
0x46: {  	_ =	shalt  }
0x47: {  	_ =	shalt  }
0x48: {  	_ =	shalt  }
0x49: {  	_ =	shalt  }
0x4a: {  	_ =	shalt  }
0x4b: {  	_ =	shalt  }
0x4c: {  	_ =	shalt  }
0x4d: {  	_ =	shalt  }
0x4e: {  	_ =	shalt  }
0x4f: {  	_ =	shalt  }
0x50: {  	_ =	shalt  }
0x51: {  	_ =	shalt  }
0x52: {  	_ =	shalt  }
0x53: {  	_ =	shalt  }
0x54: {  	_ =	shalt  }
0x55: {  	_ =	shalt  }
0x56: {  	_ =	shalt  }
0x57: {  	_ =	shalt  }
0x58: {  	_ =	shalt  }
0x59: {  	_ =	shalt  }
0x5a: {  	_ =	shalt  }
0x5b: {  	_ =	shalt  }
0x5c: {  	_ =	shalt  }
0x5d: {  	_ =	shalt  }
0x5e: {  	_ =	shalt  }
0x5f: {  	_ =	shalt  }
0x60: {  	_ =	shalt  }
0x61: {  	_ =	shalt  }
0x62: {  	_ =	shalt  }
0x63: {  	_ =	shalt  }
0x64: {  	_ =	shalt  }
0x65: {  	_ =	shalt  }
0x66: {  	_ =	shalt  }
0x67: {  	_ =	shalt  }
0x68: {  	_ =	shalt  }
0x69: {  	_ =	shalt  }
0x6a: {  	_ =	shalt  }
0x6b: {  	_ =	shalt  }
0x6c: {  	_ =	shalt  }
0x6d: {  	_ =	shalt  }
0x6e: {  	_ =	shalt  }
0x6f: {  	_ =	shalt  }
0x70: {  	_ =	shalt  }
0x71: {  	_ =	shalt  }
0x72: {  	_ =	shalt  }
0x73: {  	_ =	shalt  }
0x74: {  	_ =	shalt  }
0x75: {  	_ =	shalt  }
0x76: {  	_ =	shalt  }
0x77: {  	_ =	shalt  }
0x78: {  	_ =	shalt  }
0x79: {  	_ =	shalt  }
0x7a: {  	_ =	shalt  }
0x7b: {  	_ =	shalt  }
0x7c: {  	_ =	shalt  }
0x7d: {  	_ =	shalt  }
0x7e: {  	_ =	shalt  }
0x7f: {  	_ =	shalt  }
0x80: {  	_ =	shalt  }
0x81: {  	_ =	shalt  }
0x82: {  	_ =	shalt  }
0x83: {  	_ =	shalt  }
0x84: {  	_ =	shalt  }
0x85: {  	_ =	shalt  }
0x86: {  	_ =	shalt  }
0x87: {  	_ =	shalt  }
.Lfunc_end0:
.L_simem_size_0:
called_computation_lowered:
.L_overlay_start_0:
0x88: {  	s2 =	sld [smem:$0x3FD9]  }
0x89: {  	s3 =	sld [smem:$0x3FFE];
	_ =	sdelay $0x1  }
0x8a: {  	s1 =	srdreg.scid  }
0x8b: {  	s0 =	sand.u32 $0x1, s1  }
0x8c: {  	s16 =	sshll.u32 s0, $0xA;
	s2 =	sadd.s32 s3, s2  }
0x8d: {  	s2 =	sadd.s32 s2, s16  }
0x8e: {  	[smem:$0x3FC4] =	sst s2  }
0x8f: {  	_ = 	snop  }
0x90: {  	(tm) =	ssettm $0x1  }
0x91: {  	s17 =	sld [smem:$0x3FFB];
	_ =	sdelay $0x3  }
0x92: {  	_ =	strace s17  }
0x93: {  	s2 =	sld [smem:$0x3FFC];
	_ =	sdelay $0x3  }
0x94: {  	_ =	strace s2  }
0x95: {  	s2 =	sld [smem:$0x3FFD];
	_ =	sdelay $0x3  }
0x96: {  	_ =	strace s2  }
0x97: {  	_ =	strace $0x8FFFFFFF  }
0x98: {  	s18 =	sld [smem:$0x3FDB];
	_ =	sdelay $0x1  }
0x99: {  	s19 =	simm.s32 $_scs_section_size  }
0x9a: {  	s4 =	simm.s32 $_size__tile_overlayer_lowered;
	s5 =	simm.s32 $_tile_overlayer_lowered  }
0x9b: {  	s22 =	simm.s32 $0x1BFF;
	s21 =	sshll.u32 s5, $0x1;
	s2 =	sadd.s32 s19, s18  }
0x9c: {  	s6 =	simm.s32 $0x0;
	s20 =	sshll.u32 s4, $0x1;
	s4 =	sadd.s32 s21, s2  }
0x9d: {  	[timem:s6], [sflag:s22] =	dma.local [hbm:s4], s20  }
0x9e: {  	_ =	swait.ge [sflag:s22], s20  }
0x9f: {  	s3 =	ssub.s32 $0x0, s20;
	[sflag:s22] =	ssyncset.done $0x0  }
0xa0: {  	[sflag:s22] =	ssyncadd.s32 s3;
	_ =	sdelay $0x1  }
0xa1: {  	s23 =	simm.s32 $0x1B8B  }
0xa2: {  	_ =	swait.ge [sflag:s23], $0x1  }
0xa3: {  	[sflag:s23] =	ssyncset.done $0x0  }
0xa4: {  	s25 =	simm.s32 $0x1B8E;
	s24 =	sld [smem:$0x3FFE];
	[sflag:s23] =	ssyncadd.s32 $0xFFFFFFFF  }
0xa5: {  	s26 =	simm.s32 $execute0_lowered;
	[smem:$0x3FD2] =	sst s25  }
0xa6: {  	s4 =	sshll.u32 s26, $0x1;
	_ =	strace $0x80000046;
	[dreg:$0x1] =	wrdreg $0xFFFFFFFF  }
0xa7: {  	s28 =	simm.s32 $_size_execute0_lowered;
	s2 =	sadd.s32 s2, s4;
	[dreg:$0x0] =	wrdreg $0x0  }
0xa8: {  	s4 =	sshll.u32 s28, $0x1;
	[dreg:$0x2] =	wrdreg s2  }
0xa9: {  	[dreg:$0x3] =	wrdreg s4  }
0xaa: {  	[dreg:$0x4] =	wrdreg $0xC0  }
0xab: {  	_ =	task [dreg:s6], $0x5FFFF  }
0xac: {  	[dreg:$0x1] =	wrdreg $0xFFFFFFFF  }
0xad: {  	[dreg:$0x0] =	wrdreg $0x60  }
0xae: {  	[dreg:$0x2] =	wrdreg s24  }
0xaf: {  	[dreg:$0x3] =	wrdreg $0x9  }
0xb0: {  	_ =	task.clear_ibuf [dreg:s6], $0x4FFFF;
	_ =	strace $0x90000046  }
0xb1: {  	s29 =	simm.s32 $0x9;
	_ =	strace $0x80000048  }
0xb2: {  	_ =	swait.ge [sflag:s29], $0x1  }
0xb3: {  	[sflag:s29] =	ssyncadd.s32 $0xFFFFFFFF  }
0xb4: {  	_ =	strace $0x90000048  }
0xb5: {  	_ =	sfence  }
0xb6: {  	s30 =	sld [smem:$0x0];
	_ =	sdelay $0x2  }
0xb7: {  	s31 =	sshll.u32 s1, $0xD;
	s1 =	sshrl.u32 s1, $0x2  }
0xb8: {  	s3 =	sand.u32 $0x4000, s31;
	s1 =	sadd.s32 s1, s30  }
0xb9: {  	s0 =	sor.u32 s3, s0;
	s1 =	sshll.u32 s1, $0x11  }
0xba: {  	s0 =	sor.u32 s1, s0  }
0xbb: {  	s0 =	sadd.s32 $0x8F2B, s0  }
0xbc: {  	[sflag:s0] =	ssyncadd.remote.s32 $0x1  }
0xbd: {  	_ =	sfence.sel $0xFFFF  }
0xbe: {  	[dreg:$0x0] =	wrdreg $0xFFFFFFFF;
	(pc) =	sbr.abs _section_cstart, $3  }
0xbf: {  	[dreg:$0x1] =	wrdreg $0xFFFFFFFF  }
0xc0: {  	_ =	task.clear_ibuf [dreg:s6], $0x2FFFF;
	_ =	strace $0x9FFFFFFF  }
0xc1: {  	(tm) =	ssettm $0x7FFFFFFF  }
tec
execute0_lowered:
.L_overlay_start_1:
0x0: {  	(tag) =	ssettag $0x1  }
0x1: {  	s1 =	srdreg.scid  }
0x2: {  	s0 =	stileid.u32;
	s5 =	rddreg [dreg:$0x0]  }
0x3: {  	s2 =	simm.s32 $0x0;
	s8 =	simm.s32 $0x80;
	s9 =	simm.s32 $0x400  }
0x4: {  	s10 =	simm.s32 $0x0;
	s3 =	sand.u32 $0x1, s1;
	s29 =	sshll.u32 s0, $0x1  }
0x5: {  	s30 =	sshrl.u32 s0, $0x2;
	s1 =	rddreg [dreg:$0x1];
	s4 =	sor.u32 s3, s29  }
0x6: {  	[smem:$0x7FF] =	sst s2;
	s6 =	smul.u32 $0x14000, s30;
	s7 =	sshll.u32 s4, $0x7  }
0x7: {  	s3 =	ssub.s32 $0x2, s3;
	s4 =	smul.u32 $0x500, s4;
	s7 =	sand.u32 $0x380, s7  }
0x8: {  	_ =	strace $0x80000047;
	s31 =	sshrl.u32 s3, $0x1;
	s6 =	sor.u32 s6, s7  }
0x9: {  	s4 =	sadd.s32 s4, s5;
	s7 =	simm.s32 $0x2800;
	s6 =	sshrl.u32 s6, $0x3  }
0xa: {  	s5 =	sadd.s32 s6, s5;
	s6 =	ssub.s32 s3, s31;
	s3 =	sadd.s32 $0x2600, s4  }
0xb: {  	v0 =	vimm.f32 $0.0e+00;
	v1 =	vimm.f32 $1.000000000e+00;
	s4 =	sadd.s32 $0xC600, s5;
	s5 =	smax.u32 s6, $0x1;
	s6 =	simm.s32 $0x1  }
.LBB2_1:
0xc: {  	[tilespmem:s2], [sflag:$0x1] =	stream.linear.gather [hbm4b:s3+s2], $0x2800, $0x38;
	[tilespmem:$0x5000] =	vst v63  }
0xd: {  	_ =	swait.ge [sflag:s6], $0x2800  }
0xe: {  	[sflag:s6] =	ssyncset.done $0x0  }
0xf: {  	s11 =	simm.s32 $0x0;
	[sflag:s6] =	ssyncadd.s32 $0xFFFFD800  }
.LBB2_2:
0x10: {  	p0 =	sne.s32 s11, $0x9FC0  }
.Ltmp0:
0x11: {  	_ = 	snop;
	(pc) =	sbr.rel @p0 .LBB2_2-.Ltmp0, $3  }
0x12: {  	_ =	sdelay $0x1  }
0x13: {  	s12 =	sshra.s32 s11, $0x2  }
0x14: {  	s11 =	sadd.s32 $0x40, s11;
	[tilespmem:s12+$0x2800] =	vst v0  }
0x15: {  	s11 =	simm.s32 $0x0  }
.LBB2_4:
0x16: {  	s12 =	sshra.s32 s11, $0x2  }
0x17: {  	v2 =	vld [tilespmem:s12+$0x0];
	_ =	sdelay $0x7  }
0x18: {  	[tilespmem:v2+s7+$0x0] =	vst.idx.add.f32.msk $0xffff, v1  }
0x19: {  	v2 =	vld [tilespmem:s12+$0x10];
	_ =	sdelay $0x7  }
0x1a: {  	[tilespmem:v2+s7+$0x0] =	vst.idx.add.f32.msk $0xffff, v1  }
0x1b: {  	v2 =	vld [tilespmem:s12+$0x20];
	_ =	sdelay $0x7  }
0x1c: {  	[tilespmem:v2+s7+$0x0] =	vst.idx.add.f32.msk $0xffff, v1  }
0x1d: {  	v2 =	vld [tilespmem:s12+$0x30];
	_ =	sdelay $0x7  }
0x1e: {  	[tilespmem:v2+s7+$0x0] =	vst.idx.add.f32.msk $0xffff, v1  }
0x1f: {  	v2 =	vld [tilespmem:s12+$0x40];
	_ =	sdelay $0x7  }
0x20: {  	[tilespmem:v2+s7+$0x0] =	vst.idx.add.f32.msk $0xffff, v1  }
0x21: {  	v2 =	vld [tilespmem:s12+$0x50];
	_ =	sdelay $0x7  }
0x22: {  	[tilespmem:v2+s7+$0x0] =	vst.idx.add.f32.msk $0xffff, v1  }
0x23: {  	v2 =	vld [tilespmem:s12+$0x60];
	_ =	sdelay $0x7  }
0x24: {  	[tilespmem:v2+s7+$0x0] =	vst.idx.add.f32.msk $0xffff, v1  }
0x25: {  	v2 =	vld [tilespmem:s12+$0x70];
	_ =	sdelay $0x2  }
0x26: {  	p0 =	sne.s32 s11, $0x9E00  }
.Ltmp1:
0x27: {  	_ = 	snop;
	(pc) =	sbr.rel @p0 .LBB2_4-.Ltmp1, $2  }
0x28: {  	_ =	sdelay $0x2  }
0x29: {  	s11 =	sadd.s32 $0x200, s11;
	[tilespmem:v2+s7+$0x0] =	vst.idx.add.f32.msk $0xffff, v1  }
0x2a: {  	s10 =	sadd.s32 $0x1, s10  }
0x2b: {  	p0 =	sne.s32 s10, s5  }
.Ltmp2:
0x2c: {  	_ = 	snop;
	(pc) =	sbr.rel @p0 .LBB2_1-.Ltmp2, $4  }
0x2d: {  	[hbm4b:s4+s8] =	stream.strided.scatter [tilespmem:s7], [sflag:$0x1], $0x2800, s9, s8, $0x38;
	[tilespmem:$0x5000] =	vst v63  }
0x2e: {  	_ =	swait.ge [sflag:s6], $0x2800  }
0x2f: {  	[sflag:s6] =	ssyncset.done $0x0  }
0x30: {  	[sflag:s6] =	ssyncadd.s32 $0xFFFFD800  }
0x31: {  	_ =	sfence.sel $0x180000  }
0x32: {  	[bflag:$0x0] =	sbarrier.arrive $0xFFFF  }
0x33: {  	p0 =	sne.s32 s0, $0x0;
	_ =	strace $0x90000047  }
0x34: {  	s0 =	sadd.s32 @!p0 $0x100000, s1;
	[bflag:$0x2] =	sbarrier.arrive $0xFFFF  }
0x35: {  	[sflag:s0] =	ssyncadd.tile.s32 @!p0 $0x1;
	_ =	shalt  }
.Lfunc_end2:
_tile_overlayer_lowered:
.L_overlay_start_2:
0x36: {  	(tag) =	ssettag $0x2  }
0x37: {  	s0 =	rddreg [dreg:$0x0];
	s2 =	stileid.u32  }
0x38: {  	s1 =	rddreg [dreg:$0x1];
	p0 =	sne.s32 s2, $0x0  }
0x39: {  	s3 =	rddreg [dreg:$0x2];
	[bflag:$0x3] =	sbarrier.arrive $0xFFFF;
	s2 =	simm.s32 @!p0 $0x1C01  }
0x3a: {  	[timem:s3], [sflag:s2] =	dma.local @!p0 [hbm:s0], s1  }
0x3b: {  	s0 =	simm.s32 @!p0 $0x1  }
0x3c: {  	_ =	swait.ge @!p0 [sflag:s0], s1  }
0x3d: {  	s1 =	ssub.s32 @!p0 $0x0, s1;
	[sflag:s0] =	ssyncset.done @!p0 $0x0  }
0x3e: {  	[sflag:s0] =	ssyncadd.s32 @!p0 s1  }
0x3f: {  	[bflag:$0x3] =	sbarrier.arrive $0xFFFF  }
0x40: {  	_ =	shalt  }

// kernel: kernel.13.cloned.1.call-start
scs
__scs_entry_jumppad:
0x0: {  	(pc) =	sbr.rel $0x88, $3  }
0x1: {  	(tag) =	ssettag $0x0;
	lr =	simm.s32 $0x1  }
0x2: {  	[smem:$0x3F9D] =	sst lr;
	_ =	strace $0xD0000000  }
0x3: {  	_ = 	snop  }
0x4: {  	_ = 	snop  }
0x5: {  	_ = 	snop  }
0x6: {  	_ = 	snop  }
0x7: {  	_ = 	snop  }
__scs_overlays_trampoline_lowered:
0x8: {  	[smem:$0x3FAC] =	sst s0  }
0x9: {  	[smem:$0x3FAD] =	sst s1  }
0xa: {  	[smem:$0x3FAE] =	sst s2  }
0xb: {  	[smem:$0x3FAF] =	sst s3  }
0xc: {  	[smem:$0x3FB0] =	sst s4  }
0xd: {  	[smem:$0x3FB1] =	sst s5  }
0xe: {  	[smem:$0x3FB2] =	sst s6  }
0xf: {  	[smem:$0x3FB3] =	sst s7  }
0x10: {  	[smem:$0x3FB4] =	sst s8  }
0x11: {  	[smem:$0x3FB5] =	sst s9;
	s0 =	simm.s32 @!p0 $0x0  }
0x12: {  	s1 =	sld [smem:$0x3F9B];
	s0 =	simm.s32 @p0 $0x1  }
0x13: {  	[smem:$0x3FB6] =	sst s0;
	s0 =	simm.s32 @!p1 $0x0  }
0x14: {  	s2 =	sld [smem:$0x3F9A];
	s0 =	simm.s32 @p1 $0x1  }
0x15: {  	[smem:$0x3FB7] =	sst s0;
	s0 =	simm.s32 @!p2 $0x0  }
0x16: {  	s3 =	sld [smem:$0x3FDB];
	s0 =	simm.s32 @p2 $0x1  }
0x17: {  	s4 =	simm.s32 $0x1BF5;
	[smem:$0x3FB9] =	sst s0  }
0x18: {  	s0 =	sld [smem:$0x3F9C];
	_ =	swait.ge [sflag:s4], $0x0  }
0x19: {  	s7 =	sld [smem:$0x3F9D]  }
0x1a: {  	s8 =	sadd.s32 $0xFFFFE003, lr  }
0x1b: {  	s9 =	sadd.s32 $0xFFFFFEF7, lr;
	s5 =	simm.s32 $0xFFFFFFFF;
	p2 =	slt.u32 s8, $0xFFFFF086  }
0x1c: {  	p1 =	slt.u32 s9, $0xF7A;
	s5 =	simm.s32 @!p2 $0x0  }
0x1d: {  	s5 =	simm.s32 @p1 $0x1;
	p0 =	seq.s32 s7, s2  }
0x1e: {  	s7 =	smul.u32 @!p0 $0xF7A, s2;
	p2 =	seq.s32 @!p0 s5, $0x0  }
0x1f: {  	s9 =	smul.u32 $0xF7A, s1;
	s8 =	simm.s32 @!p0 $0x1BF5;
	p2 =	por !p2, p0  }
0x20: {  	[sflag:s8] =	ssyncset.s32 @!p0 $0xFFFFF086;
	s6 =	sadd.s32 @!p0 s3, s7;
	s7 =	simm.s32 @!p0 $0x108  }
0x21: {  	s3 =	sadd.s32 s3, s9;
	s6 =	sadd.s32 @!p0 $0x88, s6;
	s7 =	simm.s32 @p2 $0x1082  }
0x22: {  	[simem:s7], [sflag:s8] =	dma.local @!p0 [hbm:s6], $0xF7A  }
0x23: {  	s9 =	sor.u32 $0xD0000000, s2;
	s6 =	simm.s32 $0x108;
	_ =	swait.ge @!p0 [sflag:s8], $0x0  }
0x24: {  	s3 =	sadd.s32 $0x88, s3;
	s6 =	simm.s32 @!p1 $0x1082;
	[sflag:s4] =	ssyncset.s32 $0xFFFFF086  }
0x25: {  	[simem:s6], [sflag:s4] =	dma.local [hbm:s3], $0xF7A  }
0x26: {  	[smem:$0x3F9D] =	sst s1;
	(tag) =	ssettag s2;
	_ =	strace s9  }
0x27: {  	s1 =	sld [smem:$0x3FAD]  }
0x28: {  	s2 =	sld [smem:$0x3FAE]  }
0x29: {  	s4 =	sld [smem:$0x3FB0]  }
0x2a: {  	p0 =	seq.s32 s5, $0x0;
	s5 =	sld [smem:$0x3FB1]  }
0x2b: {  	s6 =	sld [smem:$0x3FB2]  }
0x2c: {  	s7 =	sld [smem:$0x3FB3]  }
0x2d: {  	s3 =	simm.s32 $0x108;
	s8 =	sld [smem:$0x3FB4]  }
0x2e: {  	s3 =	simm.s32 @!p0 $0x1082;
	s9 =	sld [smem:$0x3FB5]  }
0x2f: {  	lr =	sadd.s32 s0, s3;
	s0 =	sld [smem:$0x3FAC]  }
0x30: {  	s3 =	sld [smem:$0x3FAF]  }
0x31: {  	[smem:$0x3FB8] =	sst s10  }
0x32: {  	s10 =	sld [smem:$0x3FB6];
	_ =	sdelay $0x3  }
0x33: {  	p0 =	seq.s32 s10, $0x1;
	s10 =	sld [smem:$0x3FB8];
	_ =	sdelay $0x3  }
0x34: {  	[smem:$0x3FB8] =	sst s10  }
0x35: {  	s10 =	sld [smem:$0x3FB7];
	_ =	sdelay $0x3  }
0x36: {  	p1 =	seq.s32 s10, $0x1;
	s10 =	sld [smem:$0x3FB8];
	_ =	sdelay $0x3  }
0x37: {  	[smem:$0x3FB8] =	sst s10  }
0x38: {  	s10 =	sld [smem:$0x3FB9]  }
0x39: {  	_ = 	snop;
	(pc) =	sbr.ind lr, $3  }
0x3a: {  	_ = 	snop  }
0x3b: {  	_ = 	snop  }
0x3c: {  	p2 =	seq.s32 s10, $0x1;
	s10 =	sld [smem:$0x3FB8]  }
0x3d: {  	_ =	shalt  }
0x3e: {  	_ =	shalt  }
0x3f: {  	_ =	shalt  }
0x40: {  	_ =	shalt  }
0x41: {  	_ =	shalt  }
0x42: {  	_ =	shalt  }
0x43: {  	_ =	shalt  }
0x44: {  	_ =	shalt  }
0x45: {  	_ =	shalt  }
0x46: {  	_ =	shalt  }
0x47: {  	_ =	shalt  }
0x48: {  	_ =	shalt  }
0x49: {  	_ =	shalt  }
0x4a: {  	_ =	shalt  }
0x4b: {  	_ =	shalt  }
0x4c: {  	_ =	shalt  }
0x4d: {  	_ =	shalt  }
0x4e: {  	_ =	shalt  }
0x4f: {  	_ =	shalt  }
0x50: {  	_ =	shalt  }
0x51: {  	_ =	shalt  }
0x52: {  	_ =	shalt  }
0x53: {  	_ =	shalt  }
0x54: {  	_ =	shalt  }
0x55: {  	_ =	shalt  }
0x56: {  	_ =	shalt  }
0x57: {  	_ =	shalt  }
0x58: {  	_ =	shalt  }
0x59: {  	_ =	shalt  }
0x5a: {  	_ =	shalt  }
0x5b: {  	_ =	shalt  }
0x5c: {  	_ =	shalt  }
0x5d: {  	_ =	shalt  }
0x5e: {  	_ =	shalt  }
0x5f: {  	_ =	shalt  }
0x60: {  	_ =	shalt  }
0x61: {  	_ =	shalt  }
0x62: {  	_ =	shalt  }
0x63: {  	_ =	shalt  }
0x64: {  	_ =	shalt  }
0x65: {  	_ =	shalt  }
0x66: {  	_ =	shalt  }
0x67: {  	_ =	shalt  }
0x68: {  	_ =	shalt  }
0x69: {  	_ =	shalt  }
0x6a: {  	_ =	shalt  }
0x6b: {  	_ =	shalt  }
0x6c: {  	_ =	shalt  }
0x6d: {  	_ =	shalt  }
0x6e: {  	_ =	shalt  }
0x6f: {  	_ =	shalt  }
0x70: {  	_ =	shalt  }
0x71: {  	_ =	shalt  }
0x72: {  	_ =	shalt  }
0x73: {  	_ =	shalt  }
0x74: {  	_ =	shalt  }
0x75: {  	_ =	shalt  }
0x76: {  	_ =	shalt  }
0x77: {  	_ =	shalt  }
0x78: {  	_ =	shalt  }
0x79: {  	_ =	shalt  }
0x7a: {  	_ =	shalt  }
0x7b: {  	_ =	shalt  }
0x7c: {  	_ =	shalt  }
0x7d: {  	_ =	shalt  }
0x7e: {  	_ =	shalt  }
0x7f: {  	_ =	shalt  }
0x80: {  	_ =	shalt  }
0x81: {  	_ =	shalt  }
0x82: {  	_ =	shalt  }
0x83: {  	_ =	shalt  }
0x84: {  	_ =	shalt  }
0x85: {  	_ =	shalt  }
0x86: {  	_ =	shalt  }
0x87: {  	_ =	shalt  }
.Lfunc_end0:
.L_simem_size_0:
called_computation.1_lowered:
.L_overlay_start_0:
0x88: {  	s2 =	sld [smem:$0x3FD9]  }
0x89: {  	s3 =	sld [smem:$0x3FFE];
	_ =	sdelay $0x1  }
0x8a: {  	s1 =	srdreg.scid  }
0x8b: {  	s0 =	sand.u32 $0x1, s1  }
0x8c: {  	s17 =	sshll.u32 s0, $0xA;
	s2 =	sadd.s32 s3, s2  }
0x8d: {  	s2 =	sadd.s32 s2, s17  }
0x8e: {  	[smem:$0x3FC4] =	sst s2  }
0x8f: {  	_ = 	snop  }
0x90: {  	s2 =	sld [smem:$0x3FD0];
	(tm) =	ssettm $0x1  }
0x91: {  	s18 =	sld [smem:$0x3FFB];
	_ =	sdelay $0x3  }
0x92: {  	_ =	strace s18  }
0x93: {  	s3 =	sld [smem:$0x3FFC];
	_ =	sdelay $0x3  }
0x94: {  	_ =	strace s3  }
0x95: {  	s3 =	sld [smem:$0x3FFD];
	_ =	sdelay $0x3  }
0x96: {  	_ =	strace s3  }
0x97: {  	_ =	strace $0x8FFFFFFF  }
0x98: {  	s19 =	sld [smem:$0x3FDB];
	_ =	sdelay $0x1  }
0x99: {  	s4 =	simm.s32 $_scs_section_size  }
0x9a: {  	s5 =	simm.s32 $_size__tile_overlayer_lowered;
	s6 =	simm.s32 $_tile_overlayer_lowered  }
0x9b: {  	s22 =	simm.s32 $0x1BFF;
	s21 =	sshll.u32 s6, $0x1;
	s3 =	sadd.s32 s4, s19  }
0x9c: {  	s7 =	simm.s32 $0x0;
	s20 =	sshll.u32 s5, $0x1;
	s5 =	sadd.s32 s21, s3  }
0x9d: {  	[timem:s7], [sflag:s22] =	dma.local [hbm:s5], s20  }
0x9e: {  	_ =	swait.ge [sflag:s22], s20  }
0x9f: {  	s4 =	ssub.s32 $0x0, s20;
	[sflag:s22] =	ssyncset.done $0x0  }
0xa0: {  	[sflag:s22] =	ssyncadd.s32 s4;
	_ =	sdelay $0x1  }
0xa1: {  	s23 =	simm.s32 $0x1B8B  }
0xa2: {  	_ =	swait.ge [sflag:s23], $0x1  }
0xa3: {  	[sflag:s23] =	ssyncset.done $0x0  }
0xa4: {  	s25 =	simm.s32 $0x1B8E;
	s24 =	sld [smem:$0x3FFE];
	[sflag:s23] =	ssyncadd.s32 $0xFFFFFFFF  }
0xa5: {  	s26 =	simm.s32 $execute0_lowered;
	[smem:$0x3FD2] =	sst s25  }
0xa6: {  	s5 =	sshll.u32 s26, $0x1;
	_ =	strace $0x80000049;
	[dreg:$0x1] =	wrdreg $0xFFFFFFFF  }
0xa7: {  	s28 =	simm.s32 $_size_execute0_lowered;
	s3 =	sadd.s32 s3, s5;
	[dreg:$0x0] =	wrdreg $0x0  }
0xa8: {  	s5 =	sshll.u32 s28, $0x1;
	[dreg:$0x2] =	wrdreg s3  }
0xa9: {  	[dreg:$0x3] =	wrdreg s5  }
0xaa: {  	[dreg:$0x4] =	wrdreg $0xC0  }
0xab: {  	_ =	task [dreg:s7], $0x5FFFF  }
0xac: {  	[dreg:$0x1] =	wrdreg $0xFFFFFFFF  }
0xad: {  	[dreg:$0x0] =	wrdreg $0x60  }
0xae: {  	[dreg:$0x2] =	wrdreg s24  }
0xaf: {  	[dreg:$0x3] =	wrdreg s2  }
0xb0: {  	[dreg:$0x4] =	wrdreg $0xA9000  }
0xb1: {  	[dreg:$0x5] =	wrdreg $0x9  }
0xb2: {  	_ =	task.clear_ibuf [dreg:s7], $0x6FFFF;
	_ =	strace $0x90000049  }
0xb3: {  	s29 =	simm.s32 $0x9;
	_ =	strace $0x8000004B  }
0xb4: {  	_ =	swait.ge [sflag:s29], $0x1  }
0xb5: {  	[sflag:s29] =	ssyncadd.s32 $0xFFFFFFFF  }
0xb6: {  	_ =	strace $0x9000004B  }
0xb7: {  	_ =	sfence  }
0xb8: {  	s30 =	sld [smem:$0x0];
	_ =	sdelay $0x2  }
0xb9: {  	s31 =	sshll.u32 s1, $0xD;
	s1 =	sshrl.u32 s1, $0x2  }
0xba: {  	s3 =	sand.u32 $0x4000, s31;
	s1 =	sadd.s32 s1, s30  }
0xbb: {  	s0 =	sor.u32 s3, s0;
	s1 =	sshll.u32 s1, $0x11  }
0xbc: {  	s0 =	sor.u32 s1, s0  }
0xbd: {  	s0 =	sadd.s32 $0x8F2B, s0  }
0xbe: {  	[sflag:s0] =	ssyncadd.remote.s32 $0x1  }
0xbf: {  	_ =	sfence.sel $0xFFFF  }
0xc0: {  	[dreg:$0x0] =	wrdreg $0xFFFFFFFF;
	(pc) =	sbr.abs _section_cstart, $3  }
0xc1: {  	[dreg:$0x1] =	wrdreg $0xFFFFFFFF  }
0xc2: {  	_ =	task.clear_ibuf [dreg:s7], $0x2FFFF;
	_ =	strace $0x9FFFFFFF  }
0xc3: {  	(tm) =	ssettm $0x7FFFFFFF  }
tec
execute0_lowered:
.L_overlay_start_1:
0x0: {  	(tag) =	ssettag $0x1  }
0x1: {  	s6 =	rddreg [dreg:$0x0]  }
0x2: {  	s1 =	srdreg.scid;
	s9 =	rddreg [dreg:$0x1]  }
0x3: {  	s0 =	stileid.u32;
	s2 =	rddreg [dreg:$0x2]  }
0x4: {  	s3 =	simm.s32 $0x0;
	s16 =	simm.s32 $0x100;
	s19 =	simm.s32 $0x1  }
0x5: {  	s20 =	simm.s32 $0x2;
	s21 =	simm.s32 $0x3;
	s22 =	simm.s32 $0x5  }
0x6: {  	s23 =	simm.s32 $0x4;
	s24 =	simm.s32 $0x6;
	s25 =	simm.s32 $0x2800  }
0x7: {  	s26 =	simm.s32 $0x2880;
	s28 =	simm.s32 $0x0;
	s10 =	smul.u32 $0x14000, s0  }
0x8: {  	s8 =	sand.u32 $0x1, s1;
	s29 =	sshll.u32 s0, $0x1;
	s13 =	smul.u32 $0x50000, s0  }
0x9: {  	[smem:$0x7FF] =	sst s3;
	s4 =	sadd.s32 $0xC600, s6;
	s14 =	smul.u32 $0xA00, s0  }
0xa: {  	s17 =	sshll.u32 s0, $0x6;
	s1 =	sor.u32 s8, s29;
	s5 =	smul.u32 $0x140000, s8  }
0xb: {  	_ =	strace $0x8000004A;
	s12 =	ssub.s32 $0x2, s8;
	s15 =	smul.u32 $0x500, s8  }
0xc: {  	s17 =	sor.u32 $0x1C07, s17;
	s7 =	smul.u32 $0x500, s1;
	s30 =	sshrl.u32 s12, $0x1  }
0xd: {  	s13 =	sshrl.u32 s13, $0x2;
	s31 =	sadd.s32 s14, s9;
	s14 =	simm.s32 $0x2900  }
0xe: {  	s10 =	sadd.s32 s10, s5;
	s5 =	sadd.s32 $0x34600, s6;
	s12 =	ssub.s32 s12, s30  }
0xf: {  	s18 =	sadd.s32 s13, s2;
	s13 =	simm.s32 $0x80;
	s10 =	sshrl.u32 s10, $0x3  }
0x10: {  	s11 =	sadd.s32 s7, s6;
	s18 =	sshrl.u32 s18, $0x3;
	s10 =	sadd.s32 s10, s6  }
0x11: {  	s6 =	sadd.s32 s9, s7;
	s8 =	sadd.s32 $0x2600, s11;
	s11 =	sadd.s32 s15, s31  }
0x12: {  	s15 =	simm.s32 $0x6900;
	s7 =	sadd.s32 $0x10, s6;
	s9 =	sadd.s32 $0x36E00, s10  }
0x13: {  	s10 =	smax.u32 s12, $0x1;
	s11 =	sadd.s32 $0x30, s11;
	s12 =	simm.s32 $0x7  }
.LBB2_1:
0x14: {  	[tilespmem:s3], [sflag:$0x7] =	stream.linear.gather [hbm4b:s6+s3], $0x80, $0x38;
	[tilespmem:$0x1E900] =	vst v63  }
0x15: {  	_ =	swait.ge [sflag:s12], $0x80  }
0x16: {  	[sflag:s12] =	ssyncset.done $0x0  }
0x17: {  	[sflag:s12] =	ssyncadd.s32 $0xFFFFFF80  }
0x18: {  	[tilespmem:s13], [sflag:$0x7] =	stream.linear.gather [hbm4b:s7+s3], $0x80, $0x38;
	[tilespmem:$0x1E900] =	vst v63  }
0x19: {  	_ =	swait.ge [sflag:s12], $0x80  }
0x1a: {  	[sflag:s12] =	ssyncset.done $0x0  }
0x1b: {  	[sflag:s12] =	ssyncadd.s32 $0xFFFFFF80  }
0x1c: {  	[tilespmem:s14], [sflag:$0x1] =	stream.indirect.gather [hbm4b:s4+s13], $0x80, s3, s13, $0xb8;
	[tilespmem:$0x1E900] =	vst v63  }
0x1d: {  	_ = 	snop  }
0x1e: {  	[tilespmem:s15], [sflag:$0x2] =	stream.indirect.gather [hbm4b:s4+s13], $0x80, s13, s13, $0xb8;
	[tilespmem:$0x1E900] =	vst v63  }
0x1f: {  	_ = 	snop  }
0x20: {  	[tilespmem:s16], [sflag:$0x7] =	stream.linear.gather [hbm4b:s8+s3], $0x2800, $0x38;
	[tilespmem:$0x1E900] =	vst v63  }
0x21: {  	_ =	swait.ge [sflag:s12], $0x2800  }
0x22: {  	[sflag:s12] =	ssyncset.done $0x0  }
0x23: {  	[sflag:s12] =	ssyncadd.s32 $0xFFFFD800  }
0x24: {  	[spmem:s18], [sflag:s17] =	dma.local [hbm:s5], $0x2800  }
0x25: {  	_ =	swait.ge [sflag:s12], $0x2800  }
0x26: {  	[sflag:s12] =	ssyncset.done $0x0  }
0x27: {  	[sflag:s12] =	ssyncadd.s32 $0xFFFFD800  }
0x28: {  	[bflag:$0x0] =	sbarrier.arrive $0xFFFF  }
0x29: {  	_ =	swait.ge [sflag:s19], $0x4000  }
0x2a: {  	[sflag:s19] =	ssyncset.done $0x0  }
0x2b: {  	s29 =	simm.s32 $0x100;
	[sflag:s19] =	ssyncadd.s32 $0xFFFFC000  }
0x2c: {  	[spmem:s2] =	stream.indirect.scatter.add.f32 [tilespmem:s14], [sflag:$0x3], $0x80, s29, s13, $0xb8;
	[tilespmem:$0x1E900] =	vst v63  }
0x2d: {  	s29 =	sadd.s32 $0xFFFFFFF0, s11  }
0x2e: {  	[tilespmem:s3], [sflag:$0x5] =	stream.linear.gather [hbm4b:s29+s3], $0x80, $0x38;
	[tilespmem:$0x1E900] =	vst v63  }
0x2f: {  	_ =	swait.ge [sflag:s20], $0x4000  }
0x30: {  	[sflag:s20] =	ssyncset.done $0x0  }
0x31: {  	s29 =	simm.s32 $0x180;
	[sflag:s20] =	ssyncadd.s32 $0xFFFFC000  }
0x32: {  	[spmem:s2] =	stream.indirect.scatter.add.f32 [tilespmem:s15], [sflag:$0x4], $0x80, s29, s13, $0xb8;
	[tilespmem:$0x1E900] =	vst v63  }
0x33: {  	_ = 	snop  }
0x34: {  	[tilespmem:s13], [sflag:$0x6] =	stream.linear.gather [hbm4b:s11+s3], $0x80, $0x38;
	[tilespmem:$0x1E900] =	vst v63  }
0x35: {  	_ =	swait.ge [sflag:s21], $0x4000  }
0x36: {  	[sflag:s21] =	ssyncset.done $0x0  }
0x37: {  	[sflag:s21] =	ssyncadd.s32 $0xFFFFC000  }
0x38: {  	_ =	swait.ge [sflag:s22], $0x80  }
0x39: {  	[sflag:s22] =	ssyncset.done $0x0  }
0x3a: {  	[sflag:s22] =	ssyncadd.s32 $0xFFFFFF80  }
0x3b: {  	[tilespmem:s14], [sflag:$0x1] =	stream.indirect.gather [hbm4b:s4+s13], $0x80, s3, s13, $0xb8;
	[tilespmem:$0x1E900] =	vst v63  }
0x3c: {  	_ =	swait.ge [sflag:s23], $0x4000  }
0x3d: {  	[sflag:s23] =	ssyncset.done $0x0  }
0x3e: {  	[sflag:s23] =	ssyncadd.s32 $0xFFFFC000  }
0x3f: {  	_ =	swait.ge [sflag:s24], $0x80  }
0x40: {  	[sflag:s24] =	ssyncset.done $0x0  }
0x41: {  	s30 =	sadd.s32 $0x20, s11;
	s29 =	simm.s32 $0x400;
	[sflag:s24] =	ssyncadd.s32 $0xFFFFFF80  }
.LBB2_2:
0x42: {  	[tilespmem:s15], [sflag:$0x2] =	stream.indirect.gather [hbm4b:s4+s13], $0x80, s13, s13, $0xb8;
	[tilespmem:$0x1E900] =	vst v63  }
0x43: {  	s31 =	smov.u32 s29  }
0x44: {  	p0 =	sne.s32 s29, $0x9800;
	s29 =	sadd.s32 $0x400, s29;
	_ =	swait.ge [sflag:s19], $0x4000  }
0x45: {  	s31 =	sshra.s32 s31, $0x2;
	[sflag:s19] =	ssyncset.done $0x0  }
0x46: {  	s1 =	sadd.s32 $0x100, s31;
	[sflag:s19] =	ssyncadd.s32 $0xFFFFC000  }
0x47: {  	[spmem:s2] =	stream.indirect.scatter.add.f32 [tilespmem:s14], [sflag:$0x3], $0x80, s1, s13, $0xb8;
	[tilespmem:$0x1E900] =	vst v63  }
0x48: {  	s1 =	sadd.s32 $0xFFFFFFF0, s30  }
0x49: {  	[tilespmem:s3], [sflag:$0x5] =	stream.linear.gather [hbm4b:s1+s3], $0x80, $0x38;
	[tilespmem:$0x1E900] =	vst v63  }
0x4a: {  	_ =	swait.ge [sflag:s20], $0x4000  }
0x4b: {  	[sflag:s20] =	ssyncset.done $0x0  }
0x4c: {  	s1 =	sadd.s32 $0x180, s31;
	[sflag:s20] =	ssyncadd.s32 $0xFFFFC000  }
0x4d: {  	[spmem:s2] =	stream.indirect.scatter.add.f32 [tilespmem:s15], [sflag:$0x4], $0x80, s1, s13, $0xb8;
	[tilespmem:$0x1E900] =	vst v63  }
0x4e: {  	_ = 	snop  }
0x4f: {  	[tilespmem:s13], [sflag:$0x6] =	stream.linear.gather [hbm4b:s30+s3], $0x80, $0x38;
	[tilespmem:$0x1E900] =	vst v63  }
0x50: {  	_ =	swait.ge [sflag:s21], $0x4000  }
0x51: {  	[sflag:s21] =	ssyncset.done $0x0  }
0x52: {  	[sflag:s21] =	ssyncadd.s32 $0xFFFFC000  }
0x53: {  	_ =	swait.ge [sflag:s22], $0x80  }
0x54: {  	[sflag:s22] =	ssyncset.done $0x0  }
0x55: {  	[sflag:s22] =	ssyncadd.s32 $0xFFFFFF80  }
0x56: {  	[tilespmem:s14], [sflag:$0x1] =	stream.indirect.gather [hbm4b:s4+s13], $0x80, s3, s13, $0xb8;
	[tilespmem:$0x1E900] =	vst v63  }
0x57: {  	_ =	swait.ge [sflag:s23], $0x4000  }
.Ltmp0:
0x58: {  	[sflag:s23] =	ssyncset.done $0x0;
	(pc) =	sbr.rel @p0 .LBB2_2-.Ltmp0, $4  }
0x59: {  	[sflag:s23] =	ssyncadd.s32 $0xFFFFC000  }
0x5a: {  	_ =	swait.ge [sflag:s24], $0x80  }
0x5b: {  	[sflag:s24] =	ssyncset.done $0x0  }
0x5c: {  	s30 =	sadd.s32 $0x20, s30;
	[sflag:s24] =	ssyncadd.s32 $0xFFFFFF80  }
0x5d: {  	[tilespmem:s15], [sflag:$0x2] =	stream.indirect.gather [hbm4b:s4+s13], $0x80, s13, s13, $0xb8;
	[tilespmem:$0x1E900] =	vst v63  }
0x5e: {  	_ =	swait.ge [sflag:s19], $0x4000  }
0x5f: {  	[sflag:s19] =	ssyncset.done $0x0  }
0x60: {  	[sflag:s19] =	ssyncadd.s32 $0xFFFFC000  }
0x61: {  	[spmem:s2] =	stream.indirect.scatter.add.f32 [tilespmem:s14], [sflag:$0x3], $0x80, s25, s13, $0xb8;
	[tilespmem:$0x1E900] =	vst v63  }
0x62: {  	_ =	swait.ge [sflag:s20], $0x4000  }
0x63: {  	[sflag:s20] =	ssyncset.done $0x0  }
0x64: {  	[sflag:s20] =	ssyncadd.s32 $0xFFFFC000  }
0x65: {  	[spmem:s2] =	stream.indirect.scatter.add.f32 [tilespmem:s15], [sflag:$0x4], $0x80, s26, s13, $0xb8;
	[tilespmem:$0x1E900] =	vst v63  }
0x66: {  	_ =	swait.ge [sflag:s21], $0x4000  }
0x67: {  	[sflag:s21] =	ssyncset.done $0x0  }
0x68: {  	[sflag:s21] =	ssyncadd.s32 $0xFFFFC000  }
0x69: {  	_ =	swait.ge [sflag:s23], $0x4000  }
0x6a: {  	s28 =	sadd.s32 $0x1, s28;
	[sflag:s23] =	ssyncset.done $0x0  }
0x6b: {  	p0 =	sne.s32 s28, s10;
	[sflag:s23] =	ssyncadd.s32 $0xFFFFC000  }
.Ltmp1:
0x6c: {  	[bflag:$0x0] =	sbarrier.arrive $0xFFFF;
	(pc) =	sbr.rel @p0 .LBB2_1-.Ltmp1, $4  }
0x6d: {  	[hbm:s9], [sflag:s17] =	dma.local [spmem:s18], $0x2800  }
0x6e: {  	_ =	swait.ge [sflag:s12], $0x2800  }
0x6f: {  	[sflag:s12] =	ssyncset.done $0x0  }
0x70: {  	[sflag:s12] =	ssyncadd.s32 $0xFFFFD800  }
0x71: {  	_ =	sfence.sel $0x180000  }
0x72: {  	[bflag:$0x0] =	sbarrier.arrive $0xFFFF  }
0x73: {  	_ =	strace $0x9000004A  }
0x74: {  	[bflag:$0x2] =	sbarrier.arrive $0xFFFF  }
0x75: {  	p0 =	sne.s32 s0, $0x0;
	s0 =	rddreg [dreg:$0x3]  }
0x76: {  	s0 =	sadd.s32 @!p0 $0x100000, s0  }
0x77: {  	[sflag:s0] =	ssyncadd.tile.s32 @!p0 $0x1;
	_ =	shalt  }
.Lfunc_end2:
_tile_overlayer_lowered:
.L_overlay_start_2:
0x78: {  	(tag) =	ssettag $0x2  }
0x79: {  	s0 =	rddreg [dreg:$0x0];
	s2 =	stileid.u32  }
0x7a: {  	s1 =	rddreg [dreg:$0x1];
	p0 =	sne.s32 s2, $0x0  }
0x7b: {  	s3 =	rddreg [dreg:$0x2];
	[bflag:$0x3] =	sbarrier.arrive $0xFFFF;
	s2 =	simm.s32 @!p0 $0x1C07  }
0x7c: {  	[timem:s3], [sflag:s2] =	dma.local @!p0 [hbm:s0], s1  }
0x7d: {  	s0 =	simm.s32 @!p0 $0x7  }
0x7e: {  	_ =	swait.ge @!p0 [sflag:s0], s1  }
0x7f: {  	s1 =	ssub.s32 @!p0 $0x0, s1;
	[sflag:s0] =	ssyncset.done @!p0 $0x0  }
0x80: {  	[sflag:s0] =	ssyncadd.s32 @!p0 s1  }
0x81: {  	[bflag:$0x3] =	sbarrier.arrive $0xFFFF  }
0x82: {  	_ =	shalt  }

// kernel: kernel.16.cloned.1.call-start
scs
__scs_entry_jumppad:
0x0: {  	(pc) =	sbr.rel $0x88, $3  }
0x1: {  	(tag) =	ssettag $0x0;
	lr =	simm.s32 $0x1  }
0x2: {  	[smem:$0x3F9D] =	sst lr;
	_ =	strace $0xD0000000  }
0x3: {  	_ = 	snop  }
0x4: {  	_ = 	snop  }
0x5: {  	_ = 	snop  }
0x6: {  	_ = 	snop  }
0x7: {  	_ = 	snop  }
__scs_overlays_trampoline_lowered:
0x8: {  	[smem:$0x3FAC] =	sst s0  }
0x9: {  	[smem:$0x3FAD] =	sst s1  }
0xa: {  	[smem:$0x3FAE] =	sst s2  }
0xb: {  	[smem:$0x3FAF] =	sst s3  }
0xc: {  	[smem:$0x3FB0] =	sst s4  }
0xd: {  	[smem:$0x3FB1] =	sst s5  }
0xe: {  	[smem:$0x3FB2] =	sst s6  }
0xf: {  	[smem:$0x3FB3] =	sst s7  }
0x10: {  	[smem:$0x3FB4] =	sst s8  }
0x11: {  	[smem:$0x3FB5] =	sst s9;
	s0 =	simm.s32 @!p0 $0x0  }
0x12: {  	s1 =	sld [smem:$0x3F9B];
	s0 =	simm.s32 @p0 $0x1  }
0x13: {  	[smem:$0x3FB6] =	sst s0;
	s0 =	simm.s32 @!p1 $0x0  }
0x14: {  	s2 =	sld [smem:$0x3F9A];
	s0 =	simm.s32 @p1 $0x1  }
0x15: {  	[smem:$0x3FB7] =	sst s0;
	s0 =	simm.s32 @!p2 $0x0  }
0x16: {  	s3 =	sld [smem:$0x3FDB];
	s0 =	simm.s32 @p2 $0x1  }
0x17: {  	s4 =	simm.s32 $0x1BF5;
	[smem:$0x3FB9] =	sst s0  }
0x18: {  	s0 =	sld [smem:$0x3F9C];
	_ =	swait.ge [sflag:s4], $0x0  }
0x19: {  	s7 =	sld [smem:$0x3F9D]  }
0x1a: {  	s8 =	sadd.s32 $0xFFFFE003, lr  }
0x1b: {  	s9 =	sadd.s32 $0xFFFFFEF7, lr;
	s5 =	simm.s32 $0xFFFFFFFF;
	p2 =	slt.u32 s8, $0xFFFFF086  }
0x1c: {  	p1 =	slt.u32 s9, $0xF7A;
	s5 =	simm.s32 @!p2 $0x0  }
0x1d: {  	s5 =	simm.s32 @p1 $0x1;
	p0 =	seq.s32 s7, s2  }
0x1e: {  	s7 =	smul.u32 @!p0 $0xF7A, s2;
	p2 =	seq.s32 @!p0 s5, $0x0  }
0x1f: {  	s9 =	smul.u32 $0xF7A, s1;
	s8 =	simm.s32 @!p0 $0x1BF5;
	p2 =	por !p2, p0  }
0x20: {  	[sflag:s8] =	ssyncset.s32 @!p0 $0xFFFFF086;
	s6 =	sadd.s32 @!p0 s3, s7;
	s7 =	simm.s32 @!p0 $0x108  }
0x21: {  	s3 =	sadd.s32 s3, s9;
	s6 =	sadd.s32 @!p0 $0x88, s6;
	s7 =	simm.s32 @p2 $0x1082  }
0x22: {  	[simem:s7], [sflag:s8] =	dma.local @!p0 [hbm:s6], $0xF7A  }
0x23: {  	s9 =	sor.u32 $0xD0000000, s2;
	s6 =	simm.s32 $0x108;
	_ =	swait.ge @!p0 [sflag:s8], $0x0  }
0x24: {  	s3 =	sadd.s32 $0x88, s3;
	s6 =	simm.s32 @!p1 $0x1082;
	[sflag:s4] =	ssyncset.s32 $0xFFFFF086  }
0x25: {  	[simem:s6], [sflag:s4] =	dma.local [hbm:s3], $0xF7A  }
0x26: {  	[smem:$0x3F9D] =	sst s1;
	(tag) =	ssettag s2;
	_ =	strace s9  }
0x27: {  	s1 =	sld [smem:$0x3FAD]  }
0x28: {  	s2 =	sld [smem:$0x3FAE]  }
0x29: {  	s4 =	sld [smem:$0x3FB0]  }
0x2a: {  	p0 =	seq.s32 s5, $0x0;
	s5 =	sld [smem:$0x3FB1]  }
0x2b: {  	s6 =	sld [smem:$0x3FB2]  }
0x2c: {  	s7 =	sld [smem:$0x3FB3]  }
0x2d: {  	s3 =	simm.s32 $0x108;
	s8 =	sld [smem:$0x3FB4]  }
0x2e: {  	s3 =	simm.s32 @!p0 $0x1082;
	s9 =	sld [smem:$0x3FB5]  }
0x2f: {  	lr =	sadd.s32 s0, s3;
	s0 =	sld [smem:$0x3FAC]  }
0x30: {  	s3 =	sld [smem:$0x3FAF]  }
0x31: {  	[smem:$0x3FB8] =	sst s10  }
0x32: {  	s10 =	sld [smem:$0x3FB6];
	_ =	sdelay $0x3  }
0x33: {  	p0 =	seq.s32 s10, $0x1;
	s10 =	sld [smem:$0x3FB8];
	_ =	sdelay $0x3  }
0x34: {  	[smem:$0x3FB8] =	sst s10  }
0x35: {  	s10 =	sld [smem:$0x3FB7];
	_ =	sdelay $0x3  }
0x36: {  	p1 =	seq.s32 s10, $0x1;
	s10 =	sld [smem:$0x3FB8];
	_ =	sdelay $0x3  }
0x37: {  	[smem:$0x3FB8] =	sst s10  }
0x38: {  	s10 =	sld [smem:$0x3FB9]  }
0x39: {  	_ = 	snop;
	(pc) =	sbr.ind lr, $3  }
0x3a: {  	_ = 	snop  }
0x3b: {  	_ = 	snop  }
0x3c: {  	p2 =	seq.s32 s10, $0x1;
	s10 =	sld [smem:$0x3FB8]  }
0x3d: {  	_ =	shalt  }
0x3e: {  	_ =	shalt  }
0x3f: {  	_ =	shalt  }
0x40: {  	_ =	shalt  }
0x41: {  	_ =	shalt  }
0x42: {  	_ =	shalt  }
0x43: {  	_ =	shalt  }
0x44: {  	_ =	shalt  }
0x45: {  	_ =	shalt  }
0x46: {  	_ =	shalt  }
0x47: {  	_ =	shalt  }
0x48: {  	_ =	shalt  }
0x49: {  	_ =	shalt  }
0x4a: {  	_ =	shalt  }
0x4b: {  	_ =	shalt  }
0x4c: {  	_ =	shalt  }
0x4d: {  	_ =	shalt  }
0x4e: {  	_ =	shalt  }
0x4f: {  	_ =	shalt  }
0x50: {  	_ =	shalt  }
0x51: {  	_ =	shalt  }
0x52: {  	_ =	shalt  }
0x53: {  	_ =	shalt  }
0x54: {  	_ =	shalt  }
0x55: {  	_ =	shalt  }
0x56: {  	_ =	shalt  }
0x57: {  	_ =	shalt  }
0x58: {  	_ =	shalt  }
0x59: {  	_ =	shalt  }
0x5a: {  	_ =	shalt  }
0x5b: {  	_ =	shalt  }
0x5c: {  	_ =	shalt  }
0x5d: {  	_ =	shalt  }
0x5e: {  	_ =	shalt  }
0x5f: {  	_ =	shalt  }
0x60: {  	_ =	shalt  }
0x61: {  	_ =	shalt  }
0x62: {  	_ =	shalt  }
0x63: {  	_ =	shalt  }
0x64: {  	_ =	shalt  }
0x65: {  	_ =	shalt  }
0x66: {  	_ =	shalt  }
0x67: {  	_ =	shalt  }
0x68: {  	_ =	shalt  }
0x69: {  	_ =	shalt  }
0x6a: {  	_ =	shalt  }
0x6b: {  	_ =	shalt  }
0x6c: {  	_ =	shalt  }
0x6d: {  	_ =	shalt  }
0x6e: {  	_ =	shalt  }
0x6f: {  	_ =	shalt  }
0x70: {  	_ =	shalt  }
0x71: {  	_ =	shalt  }
0x72: {  	_ =	shalt  }
0x73: {  	_ =	shalt  }
0x74: {  	_ =	shalt  }
0x75: {  	_ =	shalt  }
0x76: {  	_ =	shalt  }
0x77: {  	_ =	shalt  }
0x78: {  	_ =	shalt  }
0x79: {  	_ =	shalt  }
0x7a: {  	_ =	shalt  }
0x7b: {  	_ =	shalt  }
0x7c: {  	_ =	shalt  }
0x7d: {  	_ =	shalt  }
0x7e: {  	_ =	shalt  }
0x7f: {  	_ =	shalt  }
0x80: {  	_ =	shalt  }
0x81: {  	_ =	shalt  }
0x82: {  	_ =	shalt  }
0x83: {  	_ =	shalt  }
0x84: {  	_ =	shalt  }
0x85: {  	_ =	shalt  }
0x86: {  	_ =	shalt  }
0x87: {  	_ =	shalt  }
.Lfunc_end0:
.L_simem_size_0:
called_computation.2_lowered:
.L_overlay_start_0:
0x88: {  	s2 =	sld [smem:$0x3FD9]  }
0x89: {  	s3 =	sld [smem:$0x3FFE];
	_ =	sdelay $0x1  }
0x8a: {  	s1 =	srdreg.scid  }
0x8b: {  	s0 =	sand.u32 $0x1, s1  }
0x8c: {  	s17 =	sshll.u32 s0, $0xA;
	s2 =	sadd.s32 s3, s2  }
0x8d: {  	s2 =	sadd.s32 s2, s17  }
0x8e: {  	[smem:$0x3FC4] =	sst s2  }
0x8f: {  	_ = 	snop  }
0x90: {  	s2 =	sld [smem:$0x3FD0];
	(tm) =	ssettm $0x1  }
0x91: {  	s18 =	sld [smem:$0x3FFB];
	_ =	sdelay $0x3  }
0x92: {  	_ =	strace s18  }
0x93: {  	s3 =	sld [smem:$0x3FFC];
	_ =	sdelay $0x3  }
0x94: {  	_ =	strace s3  }
0x95: {  	s3 =	sld [smem:$0x3FFD];
	_ =	sdelay $0x3  }
0x96: {  	_ =	strace s3  }
0x97: {  	_ =	strace $0x8FFFFFFF  }
0x98: {  	s19 =	sld [smem:$0x3FDB];
	_ =	sdelay $0x1  }
0x99: {  	s4 =	simm.s32 $_scs_section_size  }
0x9a: {  	s5 =	simm.s32 $_size__tile_overlayer_lowered;
	s6 =	simm.s32 $_tile_overlayer_lowered  }
0x9b: {  	s22 =	simm.s32 $0x1BFF;
	s21 =	sshll.u32 s6, $0x1;
	s3 =	sadd.s32 s4, s19  }
0x9c: {  	s7 =	simm.s32 $0x0;
	s20 =	sshll.u32 s5, $0x1;
	s5 =	sadd.s32 s21, s3  }
0x9d: {  	[timem:s7], [sflag:s22] =	dma.local [hbm:s5], s20  }
0x9e: {  	_ =	swait.ge [sflag:s22], s20  }
0x9f: {  	s4 =	ssub.s32 $0x0, s20;
	[sflag:s22] =	ssyncset.done $0x0  }
0xa0: {  	[sflag:s22] =	ssyncadd.s32 s4;
	_ =	sdelay $0x1  }
0xa1: {  	s23 =	simm.s32 $0x1B8B  }
0xa2: {  	_ =	swait.ge [sflag:s23], $0x1  }
0xa3: {  	[sflag:s23] =	ssyncset.done $0x0  }
0xa4: {  	s25 =	simm.s32 $0x1B8E;
	s24 =	sld [smem:$0x3FFE];
	[sflag:s23] =	ssyncadd.s32 $0xFFFFFFFF  }
0xa5: {  	s26 =	simm.s32 $execute0_lowered;
	[smem:$0x3FD2] =	sst s25  }
0xa6: {  	s5 =	sshll.u32 s26, $0x1;
	_ =	strace $0x8000004C;
	[dreg:$0x1] =	wrdreg $0xFFFFFFFF  }
0xa7: {  	s28 =	simm.s32 $_size_execute0_lowered;
	s3 =	sadd.s32 s3, s5;
	[dreg:$0x0] =	wrdreg $0x0  }
0xa8: {  	s5 =	sshll.u32 s28, $0x1;
	[dreg:$0x2] =	wrdreg s3  }
0xa9: {  	[dreg:$0x3] =	wrdreg s5  }
0xaa: {  	[dreg:$0x4] =	wrdreg $0xC0  }
0xab: {  	_ =	task [dreg:s7], $0x5FFFF  }
0xac: {  	[dreg:$0x1] =	wrdreg $0xFFFFFFFF  }
0xad: {  	[dreg:$0x0] =	wrdreg $0x60  }
0xae: {  	[dreg:$0x2] =	wrdreg s24  }
0xaf: {  	[dreg:$0x3] =	wrdreg s2  }
0xb0: {  	[dreg:$0x4] =	wrdreg $0xA9000  }
0xb1: {  	[dreg:$0x5] =	wrdreg $0x9  }
0xb2: {  	_ =	task.clear_ibuf [dreg:s7], $0x6FFFF;
	_ =	strace $0x9000004C  }
0xb3: {  	s29 =	simm.s32 $0x9;
	_ =	strace $0x8000004E  }
0xb4: {  	_ =	swait.ge [sflag:s29], $0x1  }
0xb5: {  	[sflag:s29] =	ssyncadd.s32 $0xFFFFFFFF  }
0xb6: {  	_ =	strace $0x9000004E  }
0xb7: {  	_ =	sfence  }
0xb8: {  	s30 =	sld [smem:$0x0];
	_ =	sdelay $0x2  }
0xb9: {  	s31 =	sshll.u32 s1, $0xD;
	s1 =	sshrl.u32 s1, $0x2  }
0xba: {  	s3 =	sand.u32 $0x4000, s31;
	s1 =	sadd.s32 s1, s30  }
0xbb: {  	s0 =	sor.u32 s3, s0;
	s1 =	sshll.u32 s1, $0x11  }
0xbc: {  	s0 =	sor.u32 s1, s0  }
0xbd: {  	s0 =	sadd.s32 $0x8F2B, s0  }
0xbe: {  	[sflag:s0] =	ssyncadd.remote.s32 $0x1  }
0xbf: {  	_ =	sfence.sel $0xFFFF  }
0xc0: {  	[dreg:$0x0] =	wrdreg $0xFFFFFFFF;
	(pc) =	sbr.abs _section_cstart, $3  }
0xc1: {  	[dreg:$0x1] =	wrdreg $0xFFFFFFFF  }
0xc2: {  	_ =	task.clear_ibuf [dreg:s7], $0x2FFFF;
	_ =	strace $0x9FFFFFFF  }
0xc3: {  	(tm) =	ssettm $0x7FFFFFFF  }
tec
execute0_lowered:
.L_overlay_start_1:
0x0: {  	(tag) =	ssettag $0x1  }
0x1: {  	s6 =	rddreg [dreg:$0x0]  }
0x2: {  	s1 =	srdreg.scid;
	s9 =	rddreg [dreg:$0x1]  }
0x3: {  	s0 =	stileid.u32;
	s2 =	rddreg [dreg:$0x2]  }
0x4: {  	s3 =	simm.s32 $0x0;
	s16 =	simm.s32 $0x100;
	s19 =	simm.s32 $0x1  }
0x5: {  	s20 =	simm.s32 $0x2;
	s21 =	simm.s32 $0x3;
	s22 =	simm.s32 $0x5  }
0x6: {  	s23 =	simm.s32 $0x4;
	s24 =	simm.s32 $0x6;
	s25 =	simm.s32 $0x2800  }
0x7: {  	s26 =	simm.s32 $0x2880;
	s28 =	simm.s32 $0x0;
	s10 =	smul.u32 $0x14000, s0  }
0x8: {  	s8 =	sand.u32 $0x1, s1;
	s29 =	sshll.u32 s0, $0x1;
	s13 =	smul.u32 $0x50000, s0  }
0x9: {  	[smem:$0x7FF] =	sst s3;
	s4 =	sadd.s32 $0xC600, s6;
	s14 =	smul.u32 $0xA00, s0  }
0xa: {  	s17 =	sshll.u32 s0, $0x6;
	s1 =	sor.u32 s8, s29;
	s5 =	smul.u32 $0x140000, s8  }
0xb: {  	_ =	strace $0x8000004D;
	s12 =	ssub.s32 $0x2, s8;
	s15 =	smul.u32 $0x500, s8  }
0xc: {  	s17 =	sor.u32 $0x1C07, s17;
	s7 =	smul.u32 $0x500, s1;
	s30 =	sshrl.u32 s12, $0x1  }
0xd: {  	s13 =	sshrl.u32 s13, $0x2;
	s31 =	sadd.s32 s14, s9;
	s14 =	simm.s32 $0x2900  }
0xe: {  	s10 =	sadd.s32 s10, s5;
	s5 =	sadd.s32 $0x34600, s6;
	s12 =	ssub.s32 s12, s30  }
0xf: {  	s18 =	sadd.s32 s13, s2;
	s13 =	simm.s32 $0x80;
	s10 =	sshrl.u32 s10, $0x3  }
0x10: {  	s11 =	sadd.s32 s7, s6;
	s18 =	sshrl.u32 s18, $0x3;
	s10 =	sadd.s32 s10, s6  }
0x11: {  	s6 =	sadd.s32 s9, s7;
	s8 =	sadd.s32 $0x2600, s11;
	s11 =	sadd.s32 s15, s31  }
0x12: {  	s15 =	simm.s32 $0x6900;
	s7 =	sadd.s32 $0x10, s6;
	s9 =	sadd.s32 $0x36E00, s10  }
0x13: {  	s10 =	smax.u32 s12, $0x1;
	s11 =	sadd.s32 $0x30, s11;
	s12 =	simm.s32 $0x7  }
.LBB2_1:
0x14: {  	[tilespmem:s3], [sflag:$0x7] =	stream.linear.gather [hbm4b:s6+s3], $0x80, $0x38;
	[tilespmem:$0x1E900] =	vst v63  }
0x15: {  	_ =	swait.ge [sflag:s12], $0x80  }
0x16: {  	[sflag:s12] =	ssyncset.done $0x0  }
0x17: {  	[sflag:s12] =	ssyncadd.s32 $0xFFFFFF80  }
0x18: {  	[tilespmem:s13], [sflag:$0x7] =	stream.linear.gather [hbm4b:s7+s3], $0x80, $0x38;
	[tilespmem:$0x1E900] =	vst v63  }
0x19: {  	_ =	swait.ge [sflag:s12], $0x80  }
0x1a: {  	[sflag:s12] =	ssyncset.done $0x0  }
0x1b: {  	[sflag:s12] =	ssyncadd.s32 $0xFFFFFF80  }
0x1c: {  	[tilespmem:s14], [sflag:$0x1] =	stream.indirect.gather [hbm4b:s4+s13], $0x80, s3, s13, $0xb8;
	[tilespmem:$0x1E900] =	vst v63  }
0x1d: {  	_ = 	snop  }
0x1e: {  	[tilespmem:s15], [sflag:$0x2] =	stream.indirect.gather [hbm4b:s4+s13], $0x80, s13, s13, $0xb8;
	[tilespmem:$0x1E900] =	vst v63  }
0x1f: {  	_ = 	snop  }
0x20: {  	[tilespmem:s16], [sflag:$0x7] =	stream.linear.gather [hbm4b:s8+s3], $0x2800, $0x38;
	[tilespmem:$0x1E900] =	vst v63  }
0x21: {  	_ =	swait.ge [sflag:s12], $0x2800  }
0x22: {  	[sflag:s12] =	ssyncset.done $0x0  }
0x23: {  	[sflag:s12] =	ssyncadd.s32 $0xFFFFD800  }
0x24: {  	[spmem:s18], [sflag:s17] =	dma.local [hbm:s5], $0x2800  }
0x25: {  	_ =	swait.ge [sflag:s12], $0x2800  }
0x26: {  	[sflag:s12] =	ssyncset.done $0x0  }
0x27: {  	[sflag:s12] =	ssyncadd.s32 $0xFFFFD800  }
0x28: {  	[bflag:$0x0] =	sbarrier.arrive $0xFFFF  }
0x29: {  	_ =	swait.ge [sflag:s19], $0x4000  }
0x2a: {  	[sflag:s19] =	ssyncset.done $0x0  }
0x2b: {  	s29 =	simm.s32 $0x100;
	[sflag:s19] =	ssyncadd.s32 $0xFFFFC000  }
0x2c: {  	[spmem:s2] =	stream.indirect.scatter.add.f32 [tilespmem:s14], [sflag:$0x3], $0x80, s29, s13, $0xb8;
	[tilespmem:$0x1E900] =	vst v63  }
0x2d: {  	s29 =	sadd.s32 $0xFFFFFFF0, s11  }
0x2e: {  	[tilespmem:s3], [sflag:$0x5] =	stream.linear.gather [hbm4b:s29+s3], $0x80, $0x38;
	[tilespmem:$0x1E900] =	vst v63  }
0x2f: {  	_ =	swait.ge [sflag:s20], $0x4000  }
0x30: {  	[sflag:s20] =	ssyncset.done $0x0  }
0x31: {  	s29 =	simm.s32 $0x180;
	[sflag:s20] =	ssyncadd.s32 $0xFFFFC000  }
0x32: {  	[spmem:s2] =	stream.indirect.scatter.add.f32 [tilespmem:s15], [sflag:$0x4], $0x80, s29, s13, $0xb8;
	[tilespmem:$0x1E900] =	vst v63  }
0x33: {  	_ = 	snop  }
0x34: {  	[tilespmem:s13], [sflag:$0x6] =	stream.linear.gather [hbm4b:s11+s3], $0x80, $0x38;
	[tilespmem:$0x1E900] =	vst v63  }
0x35: {  	_ =	swait.ge [sflag:s21], $0x4000  }
0x36: {  	[sflag:s21] =	ssyncset.done $0x0  }
0x37: {  	[sflag:s21] =	ssyncadd.s32 $0xFFFFC000  }
0x38: {  	_ =	swait.ge [sflag:s22], $0x80  }
0x39: {  	[sflag:s22] =	ssyncset.done $0x0  }
0x3a: {  	[sflag:s22] =	ssyncadd.s32 $0xFFFFFF80  }
0x3b: {  	[tilespmem:s14], [sflag:$0x1] =	stream.indirect.gather [hbm4b:s4+s13], $0x80, s3, s13, $0xb8;
	[tilespmem:$0x1E900] =	vst v63  }
0x3c: {  	_ =	swait.ge [sflag:s23], $0x4000  }
0x3d: {  	[sflag:s23] =	ssyncset.done $0x0  }
0x3e: {  	[sflag:s23] =	ssyncadd.s32 $0xFFFFC000  }
0x3f: {  	_ =	swait.ge [sflag:s24], $0x80  }
0x40: {  	[sflag:s24] =	ssyncset.done $0x0  }
0x41: {  	s30 =	sadd.s32 $0x20, s11;
	s29 =	simm.s32 $0x400;
	[sflag:s24] =	ssyncadd.s32 $0xFFFFFF80  }
.LBB2_2:
0x42: {  	[tilespmem:s15], [sflag:$0x2] =	stream.indirect.gather [hbm4b:s4+s13], $0x80, s13, s13, $0xb8;
	[tilespmem:$0x1E900] =	vst v63  }
0x43: {  	s31 =	smov.u32 s29  }
0x44: {  	p0 =	sne.s32 s29, $0x9800;
	s29 =	sadd.s32 $0x400, s29;
	_ =	swait.ge [sflag:s19], $0x4000  }
0x45: {  	s31 =	sshra.s32 s31, $0x2;
	[sflag:s19] =	ssyncset.done $0x0  }
0x46: {  	s1 =	sadd.s32 $0x100, s31;
	[sflag:s19] =	ssyncadd.s32 $0xFFFFC000  }
0x47: {  	[spmem:s2] =	stream.indirect.scatter.add.f32 [tilespmem:s14], [sflag:$0x3], $0x80, s1, s13, $0xb8;
	[tilespmem:$0x1E900] =	vst v63  }
0x48: {  	s1 =	sadd.s32 $0xFFFFFFF0, s30  }
0x49: {  	[tilespmem:s3], [sflag:$0x5] =	stream.linear.gather [hbm4b:s1+s3], $0x80, $0x38;
	[tilespmem:$0x1E900] =	vst v63  }
0x4a: {  	_ =	swait.ge [sflag:s20], $0x4000  }
0x4b: {  	[sflag:s20] =	ssyncset.done $0x0  }
0x4c: {  	s1 =	sadd.s32 $0x180, s31;
	[sflag:s20] =	ssyncadd.s32 $0xFFFFC000  }
0x4d: {  	[spmem:s2] =	stream.indirect.scatter.add.f32 [tilespmem:s15], [sflag:$0x4], $0x80, s1, s13, $0xb8;
	[tilespmem:$0x1E900] =	vst v63  }
0x4e: {  	_ = 	snop  }
0x4f: {  	[tilespmem:s13], [sflag:$0x6] =	stream.linear.gather [hbm4b:s30+s3], $0x80, $0x38;
	[tilespmem:$0x1E900] =	vst v63  }
0x50: {  	_ =	swait.ge [sflag:s21], $0x4000  }
0x51: {  	[sflag:s21] =	ssyncset.done $0x0  }
0x52: {  	[sflag:s21] =	ssyncadd.s32 $0xFFFFC000  }
0x53: {  	_ =	swait.ge [sflag:s22], $0x80  }
0x54: {  	[sflag:s22] =	ssyncset.done $0x0  }
0x55: {  	[sflag:s22] =	ssyncadd.s32 $0xFFFFFF80  }
0x56: {  	[tilespmem:s14], [sflag:$0x1] =	stream.indirect.gather [hbm4b:s4+s13], $0x80, s3, s13, $0xb8;
	[tilespmem:$0x1E900] =	vst v63  }
0x57: {  	_ =	swait.ge [sflag:s23], $0x4000  }
.Ltmp0:
0x58: {  	[sflag:s23] =	ssyncset.done $0x0;
	(pc) =	sbr.rel @p0 .LBB2_2-.Ltmp0, $4  }
0x59: {  	[sflag:s23] =	ssyncadd.s32 $0xFFFFC000  }
0x5a: {  	_ =	swait.ge [sflag:s24], $0x80  }
0x5b: {  	[sflag:s24] =	ssyncset.done $0x0  }
0x5c: {  	s30 =	sadd.s32 $0x20, s30;
	[sflag:s24] =	ssyncadd.s32 $0xFFFFFF80  }
0x5d: {  	[tilespmem:s15], [sflag:$0x2] =	stream.indirect.gather [hbm4b:s4+s13], $0x80, s13, s13, $0xb8;
	[tilespmem:$0x1E900] =	vst v63  }
0x5e: {  	_ =	swait.ge [sflag:s19], $0x4000  }
0x5f: {  	[sflag:s19] =	ssyncset.done $0x0  }
0x60: {  	[sflag:s19] =	ssyncadd.s32 $0xFFFFC000  }
0x61: {  	[spmem:s2] =	stream.indirect.scatter.add.f32 [tilespmem:s14], [sflag:$0x3], $0x80, s25, s13, $0xb8;
	[tilespmem:$0x1E900] =	vst v63  }
0x62: {  	_ =	swait.ge [sflag:s20], $0x4000  }
0x63: {  	[sflag:s20] =	ssyncset.done $0x0  }
0x64: {  	[sflag:s20] =	ssyncadd.s32 $0xFFFFC000  }
0x65: {  	[spmem:s2] =	stream.indirect.scatter.add.f32 [tilespmem:s15], [sflag:$0x4], $0x80, s26, s13, $0xb8;
	[tilespmem:$0x1E900] =	vst v63  }
0x66: {  	_ =	swait.ge [sflag:s21], $0x4000  }
0x67: {  	[sflag:s21] =	ssyncset.done $0x0  }
0x68: {  	[sflag:s21] =	ssyncadd.s32 $0xFFFFC000  }
0x69: {  	_ =	swait.ge [sflag:s23], $0x4000  }
0x6a: {  	s28 =	sadd.s32 $0x1, s28;
	[sflag:s23] =	ssyncset.done $0x0  }
0x6b: {  	p0 =	sne.s32 s28, s10;
	[sflag:s23] =	ssyncadd.s32 $0xFFFFC000  }
.Ltmp1:
0x6c: {  	[bflag:$0x0] =	sbarrier.arrive $0xFFFF;
	(pc) =	sbr.rel @p0 .LBB2_1-.Ltmp1, $4  }
0x6d: {  	[hbm:s9], [sflag:s17] =	dma.local [spmem:s18], $0x2800  }
0x6e: {  	_ =	swait.ge [sflag:s12], $0x2800  }
0x6f: {  	[sflag:s12] =	ssyncset.done $0x0  }
0x70: {  	[sflag:s12] =	ssyncadd.s32 $0xFFFFD800  }
0x71: {  	_ =	sfence.sel $0x180000  }
0x72: {  	[bflag:$0x0] =	sbarrier.arrive $0xFFFF  }
0x73: {  	_ =	strace $0x9000004D  }
0x74: {  	[bflag:$0x2] =	sbarrier.arrive $0xFFFF  }
0x75: {  	p0 =	sne.s32 s0, $0x0;
	s0 =	rddreg [dreg:$0x3]  }
0x76: {  	s0 =	sadd.s32 @!p0 $0x100000, s0  }
0x77: {  	[sflag:s0] =	ssyncadd.tile.s32 @!p0 $0x1;
	_ =	shalt  }
.Lfunc_end2:
_tile_overlayer_lowered:
.L_overlay_start_2:
0x78: {  	(tag) =	ssettag $0x2  }
0x79: {  	s0 =	rddreg [dreg:$0x0];
	s2 =	stileid.u32  }
0x7a: {  	s1 =	rddreg [dreg:$0x1];
	p0 =	sne.s32 s2, $0x0  }
0x7b: {  	s3 =	rddreg [dreg:$0x2];
	[bflag:$0x3] =	sbarrier.arrive $0xFFFF;
	s2 =	simm.s32 @!p0 $0x1C07  }
0x7c: {  	[timem:s3], [sflag:s2] =	dma.local @!p0 [hbm:s0], s1  }
0x7d: {  	s0 =	simm.s32 @!p0 $0x7  }
0x7e: {  	_ =	swait.ge @!p0 [sflag:s0], s1  }
0x7f: {  	s1 =	ssub.s32 @!p0 $0x0, s1;
	[sflag:s0] =	ssyncset.done @!p0 $0x0  }
0x80: {  	[sflag:s0] =	ssyncadd.s32 @!p0 s1  }
0x81: {  	[bflag:$0x3] =	sbarrier.arrive $0xFFFF  }
0x82: {  	_ =	shalt  }

// kernel: kernel.19.cloned.1.call-start
scs
__scs_entry_jumppad:
0x0: {  	(pc) =	sbr.rel $0x88, $3  }
0x1: {  	(tag) =	ssettag $0x0;
	lr =	simm.s32 $0x1  }
0x2: {  	[smem:$0x3F9D] =	sst lr;
	_ =	strace $0xD0000000  }
0x3: {  	_ = 	snop  }
0x4: {  	_ = 	snop  }
0x5: {  	_ = 	snop  }
0x6: {  	_ = 	snop  }
0x7: {  	_ = 	snop  }
__scs_overlays_trampoline_lowered:
0x8: {  	[smem:$0x3FAC] =	sst s0  }
0x9: {  	[smem:$0x3FAD] =	sst s1  }
0xa: {  	[smem:$0x3FAE] =	sst s2  }
0xb: {  	[smem:$0x3FAF] =	sst s3  }
0xc: {  	[smem:$0x3FB0] =	sst s4  }
0xd: {  	[smem:$0x3FB1] =	sst s5  }
0xe: {  	[smem:$0x3FB2] =	sst s6  }
0xf: {  	[smem:$0x3FB3] =	sst s7  }
0x10: {  	[smem:$0x3FB4] =	sst s8  }
0x11: {  	[smem:$0x3FB5] =	sst s9;
	s0 =	simm.s32 @!p0 $0x0  }
0x12: {  	s1 =	sld [smem:$0x3F9B];
	s0 =	simm.s32 @p0 $0x1  }
0x13: {  	[smem:$0x3FB6] =	sst s0;
	s0 =	simm.s32 @!p1 $0x0  }
0x14: {  	s2 =	sld [smem:$0x3F9A];
	s0 =	simm.s32 @p1 $0x1  }
0x15: {  	[smem:$0x3FB7] =	sst s0;
	s0 =	simm.s32 @!p2 $0x0  }
0x16: {  	s3 =	sld [smem:$0x3FDB];
	s0 =	simm.s32 @p2 $0x1  }
0x17: {  	s4 =	simm.s32 $0x1BF5;
	[smem:$0x3FB9] =	sst s0  }
0x18: {  	s0 =	sld [smem:$0x3F9C];
	_ =	swait.ge [sflag:s4], $0x0  }
0x19: {  	s7 =	sld [smem:$0x3F9D]  }
0x1a: {  	s8 =	sadd.s32 $0xFFFFE003, lr  }
0x1b: {  	s9 =	sadd.s32 $0xFFFFFEF7, lr;
	s5 =	simm.s32 $0xFFFFFFFF;
	p2 =	slt.u32 s8, $0xFFFFF086  }
0x1c: {  	p1 =	slt.u32 s9, $0xF7A;
	s5 =	simm.s32 @!p2 $0x0  }
0x1d: {  	s5 =	simm.s32 @p1 $0x1;
	p0 =	seq.s32 s7, s2  }
0x1e: {  	s7 =	smul.u32 @!p0 $0xF7A, s2;
	p2 =	seq.s32 @!p0 s5, $0x0  }
0x1f: {  	s9 =	smul.u32 $0xF7A, s1;
	s8 =	simm.s32 @!p0 $0x1BF5;
	p2 =	por !p2, p0  }
0x20: {  	[sflag:s8] =	ssyncset.s32 @!p0 $0xFFFFF086;
	s6 =	sadd.s32 @!p0 s3, s7;
	s7 =	simm.s32 @!p0 $0x108  }
0x21: {  	s3 =	sadd.s32 s3, s9;
	s6 =	sadd.s32 @!p0 $0x88, s6;
	s7 =	simm.s32 @p2 $0x1082  }
0x22: {  	[simem:s7], [sflag:s8] =	dma.local @!p0 [hbm:s6], $0xF7A  }
0x23: {  	s9 =	sor.u32 $0xD0000000, s2;
	s6 =	simm.s32 $0x108;
	_ =	swait.ge @!p0 [sflag:s8], $0x0  }
0x24: {  	s3 =	sadd.s32 $0x88, s3;
	s6 =	simm.s32 @!p1 $0x1082;
	[sflag:s4] =	ssyncset.s32 $0xFFFFF086  }
0x25: {  	[simem:s6], [sflag:s4] =	dma.local [hbm:s3], $0xF7A  }
0x26: {  	[smem:$0x3F9D] =	sst s1;
	(tag) =	ssettag s2;
	_ =	strace s9  }
0x27: {  	s1 =	sld [smem:$0x3FAD]  }
0x28: {  	s2 =	sld [smem:$0x3FAE]  }
0x29: {  	s4 =	sld [smem:$0x3FB0]  }
0x2a: {  	p0 =	seq.s32 s5, $0x0;
	s5 =	sld [smem:$0x3FB1]  }
0x2b: {  	s6 =	sld [smem:$0x3FB2]  }
0x2c: {  	s7 =	sld [smem:$0x3FB3]  }
0x2d: {  	s3 =	simm.s32 $0x108;
	s8 =	sld [smem:$0x3FB4]  }
0x2e: {  	s3 =	simm.s32 @!p0 $0x1082;
	s9 =	sld [smem:$0x3FB5]  }
0x2f: {  	lr =	sadd.s32 s0, s3;
	s0 =	sld [smem:$0x3FAC]  }
0x30: {  	s3 =	sld [smem:$0x3FAF]  }
0x31: {  	[smem:$0x3FB8] =	sst s10  }
0x32: {  	s10 =	sld [smem:$0x3FB6];
	_ =	sdelay $0x3  }
0x33: {  	p0 =	seq.s32 s10, $0x1;
	s10 =	sld [smem:$0x3FB8];
	_ =	sdelay $0x3  }
0x34: {  	[smem:$0x3FB8] =	sst s10  }
0x35: {  	s10 =	sld [smem:$0x3FB7];
	_ =	sdelay $0x3  }
0x36: {  	p1 =	seq.s32 s10, $0x1;
	s10 =	sld [smem:$0x3FB8];
	_ =	sdelay $0x3  }
0x37: {  	[smem:$0x3FB8] =	sst s10  }
0x38: {  	s10 =	sld [smem:$0x3FB9]  }
0x39: {  	_ = 	snop;
	(pc) =	sbr.ind lr, $3  }
0x3a: {  	_ = 	snop  }
0x3b: {  	_ = 	snop  }
0x3c: {  	p2 =	seq.s32 s10, $0x1;
	s10 =	sld [smem:$0x3FB8]  }
0x3d: {  	_ =	shalt  }
0x3e: {  	_ =	shalt  }
0x3f: {  	_ =	shalt  }
0x40: {  	_ =	shalt  }
0x41: {  	_ =	shalt  }
0x42: {  	_ =	shalt  }
0x43: {  	_ =	shalt  }
0x44: {  	_ =	shalt  }
0x45: {  	_ =	shalt  }
0x46: {  	_ =	shalt  }
0x47: {  	_ =	shalt  }
0x48: {  	_ =	shalt  }
0x49: {  	_ =	shalt  }
0x4a: {  	_ =	shalt  }
0x4b: {  	_ =	shalt  }
0x4c: {  	_ =	shalt  }
0x4d: {  	_ =	shalt  }
0x4e: {  	_ =	shalt  }
0x4f: {  	_ =	shalt  }
0x50: {  	_ =	shalt  }
0x51: {  	_ =	shalt  }
0x52: {  	_ =	shalt  }
0x53: {  	_ =	shalt  }
0x54: {  	_ =	shalt  }
0x55: {  	_ =	shalt  }
0x56: {  	_ =	shalt  }
0x57: {  	_ =	shalt  }
0x58: {  	_ =	shalt  }
0x59: {  	_ =	shalt  }
0x5a: {  	_ =	shalt  }
0x5b: {  	_ =	shalt  }
0x5c: {  	_ =	shalt  }
0x5d: {  	_ =	shalt  }
0x5e: {  	_ =	shalt  }
0x5f: {  	_ =	shalt  }
0x60: {  	_ =	shalt  }
0x61: {  	_ =	shalt  }
0x62: {  	_ =	shalt  }
0x63: {  	_ =	shalt  }
0x64: {  	_ =	shalt  }
0x65: {  	_ =	shalt  }
0x66: {  	_ =	shalt  }
0x67: {  	_ =	shalt  }
0x68: {  	_ =	shalt  }
0x69: {  	_ =	shalt  }
0x6a: {  	_ =	shalt  }
0x6b: {  	_ =	shalt  }
0x6c: {  	_ =	shalt  }
0x6d: {  	_ =	shalt  }
0x6e: {  	_ =	shalt  }
0x6f: {  	_ =	shalt  }
0x70: {  	_ =	shalt  }
0x71: {  	_ =	shalt  }
0x72: {  	_ =	shalt  }
0x73: {  	_ =	shalt  }
0x74: {  	_ =	shalt  }
0x75: {  	_ =	shalt  }
0x76: {  	_ =	shalt  }
0x77: {  	_ =	shalt  }
0x78: {  	_ =	shalt  }
0x79: {  	_ =	shalt  }
0x7a: {  	_ =	shalt  }
0x7b: {  	_ =	shalt  }
0x7c: {  	_ =	shalt  }
0x7d: {  	_ =	shalt  }
0x7e: {  	_ =	shalt  }
0x7f: {  	_ =	shalt  }
0x80: {  	_ =	shalt  }
0x81: {  	_ =	shalt  }
0x82: {  	_ =	shalt  }
0x83: {  	_ =	shalt  }
0x84: {  	_ =	shalt  }
0x85: {  	_ =	shalt  }
0x86: {  	_ =	shalt  }
0x87: {  	_ =	shalt  }
.Lfunc_end0:
.L_simem_size_0:
called_computation.3_lowered:
.L_overlay_start_0:
0x88: {  	s2 =	sld [smem:$0x3FD9]  }
0x89: {  	s3 =	sld [smem:$0x3FFE];
	_ =	sdelay $0x1  }
0x8a: {  	s1 =	srdreg.scid  }
0x8b: {  	s0 =	sand.u32 $0x1, s1  }
0x8c: {  	s17 =	sshll.u32 s0, $0xA;
	s2 =	sadd.s32 s3, s2  }
0x8d: {  	s2 =	sadd.s32 s2, s17  }
0x8e: {  	[smem:$0x3FC4] =	sst s2  }
0x8f: {  	_ = 	snop  }
0x90: {  	s2 =	sld [smem:$0x3FD0];
	(tm) =	ssettm $0x1  }
0x91: {  	s18 =	sld [smem:$0x3FFB];
	_ =	sdelay $0x3  }
0x92: {  	_ =	strace s18  }
0x93: {  	s3 =	sld [smem:$0x3FFC];
	_ =	sdelay $0x3  }
0x94: {  	_ =	strace s3  }
0x95: {  	s3 =	sld [smem:$0x3FFD];
	_ =	sdelay $0x3  }
0x96: {  	_ =	strace s3  }
0x97: {  	_ =	strace $0x8FFFFFFF  }
0x98: {  	s19 =	sld [smem:$0x3FDB];
	_ =	sdelay $0x1  }
0x99: {  	s4 =	simm.s32 $_scs_section_size  }
0x9a: {  	s5 =	simm.s32 $_size__tile_overlayer_lowered;
	s6 =	simm.s32 $_tile_overlayer_lowered  }
0x9b: {  	s22 =	simm.s32 $0x1BFF;
	s21 =	sshll.u32 s6, $0x1;
	s3 =	sadd.s32 s4, s19  }
0x9c: {  	s7 =	simm.s32 $0x0;
	s20 =	sshll.u32 s5, $0x1;
	s5 =	sadd.s32 s21, s3  }
0x9d: {  	[timem:s7], [sflag:s22] =	dma.local [hbm:s5], s20  }
0x9e: {  	_ =	swait.ge [sflag:s22], s20  }
0x9f: {  	s4 =	ssub.s32 $0x0, s20;
	[sflag:s22] =	ssyncset.done $0x0  }
0xa0: {  	[sflag:s22] =	ssyncadd.s32 s4;
	_ =	sdelay $0x1  }
0xa1: {  	s23 =	simm.s32 $0x1B8B  }
0xa2: {  	_ =	swait.ge [sflag:s23], $0x1  }
0xa3: {  	[sflag:s23] =	ssyncset.done $0x0  }
0xa4: {  	s25 =	simm.s32 $0x1B8E;
	s24 =	sld [smem:$0x3FFE];
	[sflag:s23] =	ssyncadd.s32 $0xFFFFFFFF  }
0xa5: {  	s26 =	simm.s32 $execute0_lowered;
	[smem:$0x3FD2] =	sst s25  }
0xa6: {  	s5 =	sshll.u32 s26, $0x1;
	_ =	strace $0x8000004F;
	[dreg:$0x1] =	wrdreg $0xFFFFFFFF  }
0xa7: {  	s28 =	simm.s32 $_size_execute0_lowered;
	s3 =	sadd.s32 s3, s5;
	[dreg:$0x0] =	wrdreg $0x0  }
0xa8: {  	s5 =	sshll.u32 s28, $0x1;
	[dreg:$0x2] =	wrdreg s3  }
0xa9: {  	[dreg:$0x3] =	wrdreg s5  }
0xaa: {  	[dreg:$0x4] =	wrdreg $0xC0  }
0xab: {  	_ =	task [dreg:s7], $0x5FFFF  }
0xac: {  	[dreg:$0x1] =	wrdreg $0xFFFFFFFF  }
0xad: {  	[dreg:$0x0] =	wrdreg $0x60  }
0xae: {  	[dreg:$0x2] =	wrdreg s24  }
0xaf: {  	[dreg:$0x3] =	wrdreg s2  }
0xb0: {  	[dreg:$0x4] =	wrdreg $0xA9000  }
0xb1: {  	[dreg:$0x5] =	wrdreg $0x9  }
0xb2: {  	_ =	task.clear_ibuf [dreg:s7], $0x6FFFF;
	_ =	strace $0x9000004F  }
0xb3: {  	s29 =	simm.s32 $0x9;
	_ =	strace $0x80000051  }
0xb4: {  	_ =	swait.ge [sflag:s29], $0x1  }
0xb5: {  	[sflag:s29] =	ssyncadd.s32 $0xFFFFFFFF  }
0xb6: {  	_ =	strace $0x90000051  }
0xb7: {  	_ =	sfence  }
0xb8: {  	s30 =	sld [smem:$0x0];
	_ =	sdelay $0x2  }
0xb9: {  	s31 =	sshll.u32 s1, $0xD;
	s1 =	sshrl.u32 s1, $0x2  }
0xba: {  	s3 =	sand.u32 $0x4000, s31;
	s1 =	sadd.s32 s1, s30  }
0xbb: {  	s0 =	sor.u32 s3, s0;
	s1 =	sshll.u32 s1, $0x11  }
0xbc: {  	s0 =	sor.u32 s1, s0  }
0xbd: {  	s0 =	sadd.s32 $0x8F2B, s0  }
0xbe: {  	[sflag:s0] =	ssyncadd.remote.s32 $0x1  }
0xbf: {  	_ =	sfence.sel $0xFFFF  }
0xc0: {  	[dreg:$0x0] =	wrdreg $0xFFFFFFFF;
	(pc) =	sbr.abs _section_cstart, $3  }
0xc1: {  	[dreg:$0x1] =	wrdreg $0xFFFFFFFF  }
0xc2: {  	_ =	task.clear_ibuf [dreg:s7], $0x2FFFF;
	_ =	strace $0x9FFFFFFF  }
0xc3: {  	(tm) =	ssettm $0x7FFFFFFF  }
tec
execute0_lowered:
.L_overlay_start_1:
0x0: {  	(tag) =	ssettag $0x1  }
0x1: {  	s6 =	rddreg [dreg:$0x0]  }
0x2: {  	s1 =	srdreg.scid;
	s9 =	rddreg [dreg:$0x1]  }
0x3: {  	s0 =	stileid.u32;
	s2 =	rddreg [dreg:$0x2]  }
0x4: {  	s3 =	simm.s32 $0x0;
	s16 =	simm.s32 $0x100;
	s19 =	simm.s32 $0x1  }
0x5: {  	s20 =	simm.s32 $0x2;
	s21 =	simm.s32 $0x3;
	s22 =	simm.s32 $0x5  }
0x6: {  	s23 =	simm.s32 $0x4;
	s24 =	simm.s32 $0x6;
	s25 =	simm.s32 $0x2800  }
0x7: {  	s26 =	simm.s32 $0x2880;
	s28 =	simm.s32 $0x0;
	s10 =	smul.u32 $0x14000, s0  }
0x8: {  	s8 =	sand.u32 $0x1, s1;
	s29 =	sshll.u32 s0, $0x1;
	s13 =	smul.u32 $0x50000, s0  }
0x9: {  	[smem:$0x7FF] =	sst s3;
	s4 =	sadd.s32 $0xC600, s6;
	s14 =	smul.u32 $0xA00, s0  }
0xa: {  	s17 =	sshll.u32 s0, $0x6;
	s1 =	sor.u32 s8, s29;
	s5 =	smul.u32 $0x140000, s8  }
0xb: {  	_ =	strace $0x80000050;
	s12 =	ssub.s32 $0x2, s8;
	s15 =	smul.u32 $0x500, s8  }
0xc: {  	s17 =	sor.u32 $0x1C07, s17;
	s7 =	smul.u32 $0x500, s1;
	s30 =	sshrl.u32 s12, $0x1  }
0xd: {  	s13 =	sshrl.u32 s13, $0x2;
	s31 =	sadd.s32 s14, s9;
	s14 =	simm.s32 $0x2900  }
0xe: {  	s10 =	sadd.s32 s10, s5;
	s5 =	sadd.s32 $0x34600, s6;
	s12 =	ssub.s32 s12, s30  }
0xf: {  	s18 =	sadd.s32 s13, s2;
	s13 =	simm.s32 $0x80;
	s10 =	sshrl.u32 s10, $0x3  }
0x10: {  	s11 =	sadd.s32 s7, s6;
	s18 =	sshrl.u32 s18, $0x3;
	s10 =	sadd.s32 s10, s6  }
0x11: {  	s6 =	sadd.s32 s9, s7;
	s8 =	sadd.s32 $0x2600, s11;
	s11 =	sadd.s32 s15, s31  }
0x12: {  	s15 =	simm.s32 $0x6900;
	s7 =	sadd.s32 $0x10, s6;
	s9 =	sadd.s32 $0x36E00, s10  }
0x13: {  	s10 =	smax.u32 s12, $0x1;
	s11 =	sadd.s32 $0x30, s11;
	s12 =	simm.s32 $0x7  }
.LBB2_1:
0x14: {  	[tilespmem:s3], [sflag:$0x7] =	stream.linear.gather [hbm4b:s6+s3], $0x80, $0x38;
	[tilespmem:$0x1E900] =	vst v63  }
0x15: {  	_ =	swait.ge [sflag:s12], $0x80  }
0x16: {  	[sflag:s12] =	ssyncset.done $0x0  }
0x17: {  	[sflag:s12] =	ssyncadd.s32 $0xFFFFFF80  }
0x18: {  	[tilespmem:s13], [sflag:$0x7] =	stream.linear.gather [hbm4b:s7+s3], $0x80, $0x38;
	[tilespmem:$0x1E900] =	vst v63  }
0x19: {  	_ =	swait.ge [sflag:s12], $0x80  }
0x1a: {  	[sflag:s12] =	ssyncset.done $0x0  }
0x1b: {  	[sflag:s12] =	ssyncadd.s32 $0xFFFFFF80  }
0x1c: {  	[tilespmem:s14], [sflag:$0x1] =	stream.indirect.gather [hbm4b:s4+s13], $0x80, s3, s13, $0xb8;
	[tilespmem:$0x1E900] =	vst v63  }
0x1d: {  	_ = 	snop  }
0x1e: {  	[tilespmem:s15], [sflag:$0x2] =	stream.indirect.gather [hbm4b:s4+s13], $0x80, s13, s13, $0xb8;
	[tilespmem:$0x1E900] =	vst v63  }
0x1f: {  	_ = 	snop  }
0x20: {  	[tilespmem:s16], [sflag:$0x7] =	stream.linear.gather [hbm4b:s8+s3], $0x2800, $0x38;
	[tilespmem:$0x1E900] =	vst v63  }
0x21: {  	_ =	swait.ge [sflag:s12], $0x2800  }
0x22: {  	[sflag:s12] =	ssyncset.done $0x0  }
0x23: {  	[sflag:s12] =	ssyncadd.s32 $0xFFFFD800  }
0x24: {  	[spmem:s18], [sflag:s17] =	dma.local [hbm:s5], $0x2800  }
0x25: {  	_ =	swait.ge [sflag:s12], $0x2800  }
0x26: {  	[sflag:s12] =	ssyncset.done $0x0  }
0x27: {  	[sflag:s12] =	ssyncadd.s32 $0xFFFFD800  }
0x28: {  	[bflag:$0x0] =	sbarrier.arrive $0xFFFF  }
0x29: {  	_ =	swait.ge [sflag:s19], $0x4000  }
0x2a: {  	[sflag:s19] =	ssyncset.done $0x0  }
0x2b: {  	s29 =	simm.s32 $0x100;
	[sflag:s19] =	ssyncadd.s32 $0xFFFFC000  }
0x2c: {  	[spmem:s2] =	stream.indirect.scatter.add.f32 [tilespmem:s14], [sflag:$0x3], $0x80, s29, s13, $0xb8;
	[tilespmem:$0x1E900] =	vst v63  }
0x2d: {  	s29 =	sadd.s32 $0xFFFFFFF0, s11  }
0x2e: {  	[tilespmem:s3], [sflag:$0x5] =	stream.linear.gather [hbm4b:s29+s3], $0x80, $0x38;
	[tilespmem:$0x1E900] =	vst v63  }
0x2f: {  	_ =	swait.ge [sflag:s20], $0x4000  }
0x30: {  	[sflag:s20] =	ssyncset.done $0x0  }
0x31: {  	s29 =	simm.s32 $0x180;
	[sflag:s20] =	ssyncadd.s32 $0xFFFFC000  }
0x32: {  	[spmem:s2] =	stream.indirect.scatter.add.f32 [tilespmem:s15], [sflag:$0x4], $0x80, s29, s13, $0xb8;
	[tilespmem:$0x1E900] =	vst v63  }
0x33: {  	_ = 	snop  }
0x34: {  	[tilespmem:s13], [sflag:$0x6] =	stream.linear.gather [hbm4b:s11+s3], $0x80, $0x38;
	[tilespmem:$0x1E900] =	vst v63  }
0x35: {  	_ =	swait.ge [sflag:s21], $0x4000  }
0x36: {  	[sflag:s21] =	ssyncset.done $0x0  }
0x37: {  	[sflag:s21] =	ssyncadd.s32 $0xFFFFC000  }
0x38: {  	_ =	swait.ge [sflag:s22], $0x80  }
0x39: {  	[sflag:s22] =	ssyncset.done $0x0  }
0x3a: {  	[sflag:s22] =	ssyncadd.s32 $0xFFFFFF80  }
0x3b: {  	[tilespmem:s14], [sflag:$0x1] =	stream.indirect.gather [hbm4b:s4+s13], $0x80, s3, s13, $0xb8;
	[tilespmem:$0x1E900] =	vst v63  }
0x3c: {  	_ =	swait.ge [sflag:s23], $0x4000  }
0x3d: {  	[sflag:s23] =	ssyncset.done $0x0  }
0x3e: {  	[sflag:s23] =	ssyncadd.s32 $0xFFFFC000  }
0x3f: {  	_ =	swait.ge [sflag:s24], $0x80  }
0x40: {  	[sflag:s24] =	ssyncset.done $0x0  }
0x41: {  	s30 =	sadd.s32 $0x20, s11;
	s29 =	simm.s32 $0x400;
	[sflag:s24] =	ssyncadd.s32 $0xFFFFFF80  }
.LBB2_2:
0x42: {  	[tilespmem:s15], [sflag:$0x2] =	stream.indirect.gather [hbm4b:s4+s13], $0x80, s13, s13, $0xb8;
	[tilespmem:$0x1E900] =	vst v63  }
0x43: {  	s31 =	smov.u32 s29  }
0x44: {  	p0 =	sne.s32 s29, $0x9800;
	s29 =	sadd.s32 $0x400, s29;
	_ =	swait.ge [sflag:s19], $0x4000  }
0x45: {  	s31 =	sshra.s32 s31, $0x2;
	[sflag:s19] =	ssyncset.done $0x0  }
0x46: {  	s1 =	sadd.s32 $0x100, s31;
	[sflag:s19] =	ssyncadd.s32 $0xFFFFC000  }
0x47: {  	[spmem:s2] =	stream.indirect.scatter.add.f32 [tilespmem:s14], [sflag:$0x3], $0x80, s1, s13, $0xb8;
	[tilespmem:$0x1E900] =	vst v63  }
0x48: {  	s1 =	sadd.s32 $0xFFFFFFF0, s30  }
0x49: {  	[tilespmem:s3], [sflag:$0x5] =	stream.linear.gather [hbm4b:s1+s3], $0x80, $0x38;
	[tilespmem:$0x1E900] =	vst v63  }
0x4a: {  	_ =	swait.ge [sflag:s20], $0x4000  }
0x4b: {  	[sflag:s20] =	ssyncset.done $0x0  }
0x4c: {  	s1 =	sadd.s32 $0x180, s31;
	[sflag:s20] =	ssyncadd.s32 $0xFFFFC000  }
0x4d: {  	[spmem:s2] =	stream.indirect.scatter.add.f32 [tilespmem:s15], [sflag:$0x4], $0x80, s1, s13, $0xb8;
	[tilespmem:$0x1E900] =	vst v63  }
0x4e: {  	_ = 	snop  }
0x4f: {  	[tilespmem:s13], [sflag:$0x6] =	stream.linear.gather [hbm4b:s30+s3], $0x80, $0x38;
	[tilespmem:$0x1E900] =	vst v63  }
0x50: {  	_ =	swait.ge [sflag:s21], $0x4000  }
0x51: {  	[sflag:s21] =	ssyncset.done $0x0  }
0x52: {  	[sflag:s21] =	ssyncadd.s32 $0xFFFFC000  }
0x53: {  	_ =	swait.ge [sflag:s22], $0x80  }
0x54: {  	[sflag:s22] =	ssyncset.done $0x0  }
0x55: {  	[sflag:s22] =	ssyncadd.s32 $0xFFFFFF80  }
0x56: {  	[tilespmem:s14], [sflag:$0x1] =	stream.indirect.gather [hbm4b:s4+s13], $0x80, s3, s13, $0xb8;
	[tilespmem:$0x1E900] =	vst v63  }
0x57: {  	_ =	swait.ge [sflag:s23], $0x4000  }
.Ltmp0:
0x58: {  	[sflag:s23] =	ssyncset.done $0x0;
	(pc) =	sbr.rel @p0 .LBB2_2-.Ltmp0, $4  }
0x59: {  	[sflag:s23] =	ssyncadd.s32 $0xFFFFC000  }
0x5a: {  	_ =	swait.ge [sflag:s24], $0x80  }
0x5b: {  	[sflag:s24] =	ssyncset.done $0x0  }
0x5c: {  	s30 =	sadd.s32 $0x20, s30;
	[sflag:s24] =	ssyncadd.s32 $0xFFFFFF80  }
0x5d: {  	[tilespmem:s15], [sflag:$0x2] =	stream.indirect.gather [hbm4b:s4+s13], $0x80, s13, s13, $0xb8;
	[tilespmem:$0x1E900] =	vst v63  }
0x5e: {  	_ =	swait.ge [sflag:s19], $0x4000  }
0x5f: {  	[sflag:s19] =	ssyncset.done $0x0  }
0x60: {  	[sflag:s19] =	ssyncadd.s32 $0xFFFFC000  }
0x61: {  	[spmem:s2] =	stream.indirect.scatter.add.f32 [tilespmem:s14], [sflag:$0x3], $0x80, s25, s13, $0xb8;
	[tilespmem:$0x1E900] =	vst v63  }
0x62: {  	_ =	swait.ge [sflag:s20], $0x4000  }
0x63: {  	[sflag:s20] =	ssyncset.done $0x0  }
0x64: {  	[sflag:s20] =	ssyncadd.s32 $0xFFFFC000  }
0x65: {  	[spmem:s2] =	stream.indirect.scatter.add.f32 [tilespmem:s15], [sflag:$0x4], $0x80, s26, s13, $0xb8;
	[tilespmem:$0x1E900] =	vst v63  }
0x66: {  	_ =	swait.ge [sflag:s21], $0x4000  }
0x67: {  	[sflag:s21] =	ssyncset.done $0x0  }
0x68: {  	[sflag:s21] =	ssyncadd.s32 $0xFFFFC000  }
0x69: {  	_ =	swait.ge [sflag:s23], $0x4000  }
0x6a: {  	s28 =	sadd.s32 $0x1, s28;
	[sflag:s23] =	ssyncset.done $0x0  }
0x6b: {  	p0 =	sne.s32 s28, s10;
	[sflag:s23] =	ssyncadd.s32 $0xFFFFC000  }
.Ltmp1:
0x6c: {  	[bflag:$0x0] =	sbarrier.arrive $0xFFFF;
	(pc) =	sbr.rel @p0 .LBB2_1-.Ltmp1, $4  }
0x6d: {  	[hbm:s9], [sflag:s17] =	dma.local [spmem:s18], $0x2800  }
0x6e: {  	_ =	swait.ge [sflag:s12], $0x2800  }
0x6f: {  	[sflag:s12] =	ssyncset.done $0x0  }
0x70: {  	[sflag:s12] =	ssyncadd.s32 $0xFFFFD800  }
0x71: {  	_ =	sfence.sel $0x180000  }
0x72: {  	[bflag:$0x0] =	sbarrier.arrive $0xFFFF  }
0x73: {  	_ =	strace $0x90000050  }
0x74: {  	[bflag:$0x2] =	sbarrier.arrive $0xFFFF  }
0x75: {  	p0 =	sne.s32 s0, $0x0;
	s0 =	rddreg [dreg:$0x3]  }
0x76: {  	s0 =	sadd.s32 @!p0 $0x100000, s0  }
0x77: {  	[sflag:s0] =	ssyncadd.tile.s32 @!p0 $0x1;
	_ =	shalt  }
.Lfunc_end2:
_tile_overlayer_lowered:
.L_overlay_start_2:
0x78: {  	(tag) =	ssettag $0x2  }
0x79: {  	s0 =	rddreg [dreg:$0x0];
	s2 =	stileid.u32  }
0x7a: {  	s1 =	rddreg [dreg:$0x1];
	p0 =	sne.s32 s2, $0x0  }
0x7b: {  	s3 =	rddreg [dreg:$0x2];
	[bflag:$0x3] =	sbarrier.arrive $0xFFFF;
	s2 =	simm.s32 @!p0 $0x1C07  }
0x7c: {  	[timem:s3], [sflag:s2] =	dma.local @!p0 [hbm:s0], s1  }
0x7d: {  	s0 =	simm.s32 @!p0 $0x7  }
0x7e: {  	_ =	swait.ge @!p0 [sflag:s0], s1  }
0x7f: {  	s1 =	ssub.s32 @!p0 $0x0, s1;
	[sflag:s0] =	ssyncset.done @!p0 $0x0  }
0x80: {  	[sflag:s0] =	ssyncadd.s32 @!p0 s1  }
0x81: {  	[bflag:$0x3] =	sbarrier.arrive $0xFFFF  }
0x82: {  	_ =	shalt  }

</sc_bundles>
